<compile_context>
chip_gen: v7x
topology: tpu7x:2x2x1
jax: 0.10.2.dev20260603
libtpu: 0.0.44.dev20260713+nightly
codegen_flags: <defaults>
</compile_context>

<pallas_src>
import jax
import jax.numpy as jnp
from jax import lax
from jax.experimental import pallas as pl
from jax.experimental.pallas import tpu as pltpu
from jax.experimental.pallas import tpu_sc as plsc

BATCH = 16384
DIM = 2048
LANES = 16
GROUPS = DIM // LANES

_info = plsc.get_sparse_core_info()
NUM_CORES = _info.num_cores
NUM_SUBCORES = _info.num_subcores
NUM_WORKERS = NUM_CORES * NUM_SUBCORES
ROWS_PER_WORKER = BATCH // NUM_WORKERS
BLOCK_ROWS = 4
NUM_BLOCKS = ROWS_PER_WORKER // BLOCK_ROWS
BLOCK_ELEMS = BLOCK_ROWS * DIM
NBUF = 4
NUM_PHASES = NUM_BLOCKS // NBUF
UNROLL = 4


def _sc_body(
    z_hbm, perm_hbm, out_hbm, perm_v, in_bufs, out_bufs, in_sems, out_sems
):
    wid = lax.axis_index("s") * NUM_CORES + lax.axis_index("c")

    pltpu.sync_copy(perm_hbm, perm_v)

    def _off(g):
        return (g * NUM_WORKERS + wid) * BLOCK_ELEMS

    def issue_fetch(g, b):
        pltpu.async_copy(
            z_hbm.at[pl.ds(_off(g), BLOCK_ELEMS)], in_bufs[b], in_sems[b]
        )

    def issue_store(g, b):
        pltpu.async_copy(
            out_bufs[b], out_hbm.at[pl.ds(_off(g), BLOCK_ELEMS)], out_sems[b]
        )

    def wait_fetch(b):
        pltpu.make_async_copy(
            z_hbm.at[pl.ds(0, BLOCK_ELEMS)], in_bufs[b], in_sems[b]
        ).wait()

    def wait_store(b):
        pltpu.make_async_copy(
            out_bufs[b], out_hbm.at[pl.ds(0, BLOCK_ELEMS)], out_sems[b]
        ).wait()

    def gather_block(b):
        in_buf = in_bufs[b]
        out_buf = out_bufs[b]

        @plsc.parallel_loop(0, GROUPS, unroll=UNROLL)
        def _(j):
            idx16 = perm_v[pl.ds(j * LANES, LANES)]
            for r in range(BLOCK_ROWS):
                vals = plsc.load_gather(in_buf, [idx16 + (r * DIM)])
                out_buf[pl.ds(r * DIM + j * LANES, LANES)] = vals

    for b in range(NBUF):
        issue_fetch(b, b)
    for b in range(NBUF):
        wait_fetch(b)
        gather_block(b)
        issue_store(b, b)
        issue_fetch(b + NBUF, b)

    def phase_step(p, _):
        for b in range(NBUF):
            g = p * NBUF + b
            wait_fetch(b)
            wait_store(b)
            gather_block(b)
            issue_store(g, b)

            @pl.when(g + NBUF < NUM_BLOCKS)
            def _():
                issue_fetch(g + NBUF, b)

        return 0

    lax.fori_loop(1, NUM_PHASES, phase_step, 0)

    for b in range(NBUF):
        wait_store(b)


@jax.jit
def _permute(z_flat, perm):
    mesh = plsc.VectorSubcoreMesh(core_axis_name="c", subcore_axis_name="s")
    return pl.kernel(
        _sc_body,
        out_type=jax.ShapeDtypeStruct((BATCH * DIM,), jnp.float32),
        mesh=mesh,
        compiler_params=pltpu.CompilerParams(needs_layout_passes=False),
        scratch_types=[
            pltpu.VMEM((DIM,), jnp.int32),
            [pltpu.VMEM((BLOCK_ELEMS,), jnp.float32) for _ in range(NBUF)],
            [pltpu.VMEM((BLOCK_ELEMS,), jnp.float32) for _ in range(NBUF)],
            [pltpu.SemaphoreType.DMA for _ in range(NBUF)],
            [pltpu.SemaphoreType.DMA for _ in range(NBUF)],
        ],
    )(z_flat, perm)


def kernel(z, permutation):
    out = _permute(z.reshape(-1), permutation.astype(jnp.int32))
    return out.reshape(BATCH, DIM)

# --- scband reference (transcript-rebuilt; emitter-appended) ---
"""Pipeline reference for scband-permutation-layer-30906584662268 (READ-ONLY COPY).

The authoritative reference and input builder live on the scoring server;
editing this copy changes nothing except your own understanding.
"""

import jax, jax.numpy as jnp
import numpy as np

INPUT_DIM = 2048
BATCH = 16384

def setup_inputs(seed: int = 0) -> dict:
    key = jax.random.key(seed)
    k_z, k_perm = jax.random.split(key)
    z = jax.random.normal(k_z, (BATCH, INPUT_DIM), dtype=jnp.float32)
    # buffer: fixed random permutation (equivalent of torch.randperm registered buffer)
    permutation = jax.random.permutation(k_perm, INPUT_DIM).astype(jnp.int64)
    return {"z": z, "permutation": permutation}

def reference(z, permutation):
    # PermutationLayer.forward: z[:, permutation] -> column gather
    return jnp.take(z, permutation, axis=1)

if __name__ == "__main__":
    import jax
    _d = setup_inputs()
    print(jax.jit(kernel)(*tuple(_d.values())))

</pallas_src>

<mosaic_0001>
#map = affine_map<(d0, d1) -> (0)>
module attributes {stable_mosaic.version = 14 : i64} {
  func.func @_sc_body(%arg0: i32, %arg1: i32, %arg2: memref<33554432xf32, #tpu.memory_space<hbm>>, %arg3: memref<2048xi32, #tpu.memory_space<hbm>>, %arg4: memref<33554432xf32, #tpu.memory_space<hbm>>, %arg5: memref<2048xi32, #tpu.memory_space<vmem>>, %arg6: memref<8192xf32, #tpu.memory_space<vmem>>, %arg7: memref<8192xf32, #tpu.memory_space<vmem>>, %arg8: memref<8192xf32, #tpu.memory_space<vmem>>, %arg9: memref<8192xf32, #tpu.memory_space<vmem>>, %arg10: memref<8192xf32, #tpu.memory_space<vmem>>, %arg11: memref<8192xf32, #tpu.memory_space<vmem>>, %arg12: memref<8192xf32, #tpu.memory_space<vmem>>, %arg13: memref<8192xf32, #tpu.memory_space<vmem>>, %arg14: memref<!tpu.dma_semaphore, #tpu.memory_space<semaphore_mem>>, %arg15: memref<!tpu.dma_semaphore, #tpu.memory_space<semaphore_mem>>, %arg16: memref<!tpu.dma_semaphore, #tpu.memory_space<semaphore_mem>>, %arg17: memref<!tpu.dma_semaphore, #tpu.memory_space<semaphore_mem>>, %arg18: memref<!tpu.dma_semaphore, #tpu.memory_space<semaphore_mem>>, %arg19: memref<!tpu.dma_semaphore, #tpu.memory_space<semaphore_mem>>, %arg20: memref<!tpu.dma_semaphore, #tpu.memory_space<semaphore_mem>>, %arg21: memref<!tpu.dma_semaphore, #tpu.memory_space<semaphore_mem>>) attributes {dimension_semantics = [#tpu.dimension_semantics<core_parallel>, #tpu.dimension_semantics<subcore_parallel>], iteration_bounds = array<i64: 2, 16>, scalar_prefetch = 0 : i64, scratch_operands = 17 : i64, tpu.core_type = #tpu.core_type<sc_vector_subcore>, window_params = [{transform_indices = #map}, {transform_indices = #map}, {transform_indices = #map}]} {
    %mul3A = arith.constant 2 : i32
    %mul3A_0 = arith.muli %arg1, %mul3A : i32
    %add3A = arith.addi %mul3A_0, %arg0 : i32
    "tpu.region"() ({
      %run_scoped3A = tpu.sem_alloc : memref<!tpu.dma_semaphore, #tpu.memory_space<semaphore_mem>>
      tpu.enqueue_dma source(%arg3 : memref<2048xi32, #tpu.memory_space<hbm>>) target(%arg5 : memref<2048xi32, #tpu.memory_space<vmem>>) target_semaphore(%run_scoped3A : memref<!tpu.dma_semaphore, #tpu.memory_space<semaphore_mem>>)
      tpu.wait_dma2 semaphore(%run_scoped3A : memref<!tpu.dma_semaphore, #tpu.memory_space<semaphore_mem>>) src(%arg3 : memref<2048xi32, #tpu.memory_space<hbm>>) dst(%arg5 : memref<2048xi32, #tpu.memory_space<vmem>>)
      tpu.yield
    }) : () -> ()
    %add3A_1 = arith.constant 0 : i32
    %add3A_2 = arith.addi %add3A_1, %add3A : i32
    %mul3A_3 = arith.constant 8192 : i32
    %mul3A_4 = arith.muli %add3A_2, %mul3A_3 : i32
    %dma_start3A = tpu.memref_slice %arg2[%mul3A_4] : memref<33554432xf32, #tpu.memory_space<hbm>> -> memref<8192xf32, #tpu.memory_space<hbm>>
    %dma_start3A_5 = tpu.memref_slice %arg2[%mul3A_4] : memref<33554432xf32, #tpu.memory_space<hbm>> -> memref<8192xf32, #tpu.memory_space<hbm>>
    tpu.enqueue_dma source(%dma_start3A_5 : memref<8192xf32, #tpu.memory_space<hbm>>) target(%arg6 : memref<8192xf32, #tpu.memory_space<vmem>>) target_semaphore(%arg14 : memref<!tpu.dma_semaphore, #tpu.memory_space<semaphore_mem>>)
    %add3A_6 = arith.constant 32 : i32
    %add3A_7 = arith.addi %add3A_6, %add3A : i32
    %mul3A_8 = arith.constant 8192 : i32
    %mul3A_9 = arith.muli %add3A_7, %mul3A_8 : i32
    %dma_start3A_10 = tpu.memref_slice %arg2[%mul3A_9] : memref<33554432xf32, #tpu.memory_space<hbm>> -> memref<8192xf32, #tpu.memory_space<hbm>>
    %dma_start3A_11 = tpu.memref_slice %arg2[%mul3A_9] : memref<33554432xf32, #tpu.memory_space<hbm>> -> memref<8192xf32, #tpu.memory_space<hbm>>
    tpu.enqueue_dma source(%dma_start3A_11 : memref<8192xf32, #tpu.memory_space<hbm>>) target(%arg7 : memref<8192xf32, #tpu.memory_space<vmem>>) target_semaphore(%arg15 : memref<!tpu.dma_semaphore, #tpu.memory_space<semaphore_mem>>)
    %add3A_12 = arith.constant 64 : i32
    %add3A_13 = arith.addi %add3A_12, %add3A : i32
    %mul3A_14 = arith.constant 8192 : i32
    %mul3A_15 = arith.muli %add3A_13, %mul3A_14 : i32
    %dma_start3A_16 = tpu.memref_slice %arg2[%mul3A_15] : memref<33554432xf32, #tpu.memory_space<hbm>> -> memref<8192xf32, #tpu.memory_space<hbm>>
    %dma_start3A_17 = tpu.memref_slice %arg2[%mul3A_15] : memref<33554432xf32, #tpu.memory_space<hbm>> -> memref<8192xf32, #tpu.memory_space<hbm>>
    tpu.enqueue_dma source(%dma_start3A_17 : memref<8192xf32, #tpu.memory_space<hbm>>) target(%arg8 : memref<8192xf32, #tpu.memory_space<vmem>>) target_semaphore(%arg16 : memref<!tpu.dma_semaphore, #tpu.memory_space<semaphore_mem>>)
    %add3A_18 = arith.constant 96 : i32
    %add3A_19 = arith.addi %add3A_18, %add3A : i32
    %mul3A_20 = arith.constant 8192 : i32
    %mul3A_21 = arith.muli %add3A_19, %mul3A_20 : i32
    %dma_start3A_22 = tpu.memref_slice %arg2[%mul3A_21] : memref<33554432xf32, #tpu.memory_space<hbm>> -> memref<8192xf32, #tpu.memory_space<hbm>>
    %dma_start3A_23 = tpu.memref_slice %arg2[%mul3A_21] : memref<33554432xf32, #tpu.memory_space<hbm>> -> memref<8192xf32, #tpu.memory_space<hbm>>
    tpu.enqueue_dma source(%dma_start3A_23 : memref<8192xf32, #tpu.memory_space<hbm>>) target(%arg9 : memref<8192xf32, #tpu.memory_space<vmem>>) target_semaphore(%arg17 : memref<!tpu.dma_semaphore, #tpu.memory_space<semaphore_mem>>)
    %dma_wait3A = arith.constant 0 : i32
    %dma_wait3A_24 = tpu.memref_slice %arg2[%dma_wait3A] : memref<33554432xf32, #tpu.memory_space<hbm>> -> memref<8192xf32, #tpu.memory_space<hbm>>
    %dma_wait3A_25 = arith.constant 0 : i32
    %dma_wait3A_26 = tpu.memref_slice %arg2[%dma_wait3A_25] : memref<33554432xf32, #tpu.memory_space<hbm>> -> memref<8192xf32, #tpu.memory_space<hbm>>
    tpu.wait_dma2 semaphore(%arg14 : memref<!tpu.dma_semaphore, #tpu.memory_space<semaphore_mem>>) src(%dma_wait3A_26 : memref<8192xf32, #tpu.memory_space<hbm>>) dst(%arg6 : memref<8192xf32, #tpu.memory_space<vmem>>)
    %parallel_loop3A = arith.constant 0 : i32
    %parallel_loop3A_27 = arith.constant 128 : i32
    %parallel_loop3A_28 = arith.constant 1 : i32
    scf.for %parallel_loop3A_120 = %parallel_loop3A to %parallel_loop3A_27 step %parallel_loop3A_28  : i32 {
      %parallel_loop3A_121 = arith.constant 16 : i32
      %parallel_loop3A_122 = arith.muli %parallel_loop3A_120, %parallel_loop3A_121 : i32
      %parallel_loop3A_123 = arith.index_cast %parallel_loop3A_122 : i32 to index
      %parallel_loop3A_124 = tpu.vector_load %arg5[%parallel_loop3A_123] {strides = array<i32>} : memref<2048xi32, #tpu.memory_space<vmem>>, vector<16xi32>,
      %parallel_loop3A_125 = arith.constant 0 : i32
      %parallel_loop3A_126 = vector.broadcast %parallel_loop3A_125 : i32 to vector<16xi32>
      %parallel_loop3A_127 = arith.addi %parallel_loop3A_124, %parallel_loop3A_126 : vector<16xi32>
      %parallel_loop3A_128 = tpu.vector_load_idx %arg6[%parallel_loop3A_127] : memref<8192xf32, #tpu.memory_space<vmem>>[vector<16xi32>], vector<16xf32>,
      %parallel_loop3A_129 = arith.constant 16 : i32
      %parallel_loop3A_130 = arith.muli %parallel_loop3A_120, %parallel_loop3A_129 : i32
      %parallel_loop3A_131 = arith.constant 0 : i32
      %parallel_loop3A_132 = arith.addi %parallel_loop3A_131, %parallel_loop3A_130 : i32
      %parallel_loop3A_133 = arith.index_cast %parallel_loop3A_132 : i32 to index
      %parallel_loop3A_134 = tpu.vector_load %arg10[%parallel_loop3A_133] {strides = array<i32>} : memref<8192xf32, #tpu.memory_space<vmem>>, vector<16xf32>,
      tpu.vector_store %arg10[%parallel_loop3A_133], %parallel_loop3A_128 {strides = array<i32>} : memref<8192xf32, #tpu.memory_space<vmem>>, vector<16xf32>,
      %parallel_loop3A_135 = arith.constant 2048 : i32
      %parallel_loop3A_136 = vector.broadcast %parallel_loop3A_135 : i32 to vector<16xi32>
      %parallel_loop3A_137 = arith.addi %parallel_loop3A_124, %parallel_loop3A_136 : vector<16xi32>
      %parallel_loop3A_138 = tpu.vector_load_idx %arg6[%parallel_loop3A_137] : memref<8192xf32, #tpu.memory_space<vmem>>[vector<16xi32>], vector<16xf32>,
      %parallel_loop3A_139 = arith.constant 16 : i32
      %parallel_loop3A_140 = arith.muli %parallel_loop3A_120, %parallel_loop3A_139 : i32
      %parallel_loop3A_141 = arith.constant 2048 : i32
      %parallel_loop3A_142 = arith.addi %parallel_loop3A_141, %parallel_loop3A_140 : i32
      %parallel_loop3A_143 = arith.index_cast %parallel_loop3A_142 : i32 to index
      %parallel_loop3A_144 = tpu.vector_load %arg10[%parallel_loop3A_143] {strides = array<i32>} : memref<8192xf32, #tpu.memory_space<vmem>>, vector<16xf32>,
      tpu.vector_store %arg10[%parallel_loop3A_143], %parallel_loop3A_138 {strides = array<i32>} : memref<8192xf32, #tpu.memory_space<vmem>>, vector<16xf32>,
      %parallel_loop3A_145 = arith.constant 4096 : i32
      %parallel_loop3A_146 = vector.broadcast %parallel_loop3A_145 : i32 to vector<16xi32>
      %parallel_loop3A_147 = arith.addi %parallel_loop3A_124, %parallel_loop3A_146 : vector<16xi32>
      %parallel_loop3A_148 = tpu.vector_load_idx %arg6[%parallel_loop3A_147] : memref<8192xf32, #tpu.memory_space<vmem>>[vector<16xi32>], vector<16xf32>,
      %parallel_loop3A_149 = arith.constant 16 : i32
      %parallel_loop3A_150 = arith.muli %parallel_loop3A_120, %parallel_loop3A_149 : i32
      %parallel_loop3A_151 = arith.constant 4096 : i32
      %parallel_loop3A_152 = arith.addi %parallel_loop3A_151, %parallel_loop3A_150 : i32
      %parallel_loop3A_153 = arith.index_cast %parallel_loop3A_152 : i32 to index
      %parallel_loop3A_154 = tpu.vector_load %arg10[%parallel_loop3A_153] {strides = array<i32>} : memref<8192xf32, #tpu.memory_space<vmem>>, vector<16xf32>,
      tpu.vector_store %arg10[%parallel_loop3A_153], %parallel_loop3A_148 {strides = array<i32>} : memref<8192xf32, #tpu.memory_space<vmem>>, vector<16xf32>,
      %parallel_loop3A_155 = arith.constant 6144 : i32
      %parallel_loop3A_156 = vector.broadcast %parallel_loop3A_155 : i32 to vector<16xi32>
      %parallel_loop3A_157 = arith.addi %parallel_loop3A_124, %parallel_loop3A_156 : vector<16xi32>
      %parallel_loop3A_158 = tpu.vector_load_idx %arg6[%parallel_loop3A_157] : memref<8192xf32, #tpu.memory_space<vmem>>[vector<16xi32>], vector<16xf32>,
      %parallel_loop3A_159 = arith.constant 16 : i32
      %parallel_loop3A_160 = arith.muli %parallel_loop3A_120, %parallel_loop3A_159 : i32
      %parallel_loop3A_161 = arith.constant 6144 : i32
      %parallel_loop3A_162 = arith.addi %parallel_loop3A_161, %parallel_loop3A_160 : i32
      %parallel_loop3A_163 = arith.index_cast %parallel_loop3A_162 : i32 to index
      %parallel_loop3A_164 = tpu.vector_load %arg10[%parallel_loop3A_163] {strides = array<i32>} : memref<8192xf32, #tpu.memory_space<vmem>>, vector<16xf32>,
      tpu.vector_store %arg10[%parallel_loop3A_163], %parallel_loop3A_158 {strides = array<i32>} : memref<8192xf32, #tpu.memory_space<vmem>>, vector<16xf32>,
    } {sc.loop_unroll_factor = 4 : i64, sc.parallel_access}
    %add3A_29 = arith.constant 0 : i32
    %add3A_30 = arith.addi %add3A_29, %add3A : i32
    %mul3A_31 = arith.constant 8192 : i32
    %mul3A_32 = arith.muli %add3A_30, %mul3A_31 : i32
    %dma_start3A_33 = tpu.memref_slice %arg4[%mul3A_32] : memref<33554432xf32, #tpu.memory_space<hbm>> -> memref<8192xf32, #tpu.memory_space<hbm>>
    %dma_start3A_34 = tpu.memref_slice %arg4[%mul3A_32] : memref<33554432xf32, #tpu.memory_space<hbm>> -> memref<8192xf32, #tpu.memory_space<hbm>>
    tpu.enqueue_dma source(%arg10 : memref<8192xf32, #tpu.memory_space<vmem>>) target(%dma_start3A_34 : memref<8192xf32, #tpu.memory_space<hbm>>) target_semaphore(%arg18 : memref<!tpu.dma_semaphore, #tpu.memory_space<semaphore_mem>>)
    %add3A_35 = arith.constant 128 : i32
    %add3A_36 = arith.addi %add3A_35, %add3A : i32
    %mul3A_37 = arith.constant 8192 : i32
    %mul3A_38 = arith.muli %add3A_36, %mul3A_37 : i32
    %dma_start3A_39 = tpu.memref_slice %arg2[%mul3A_38] : memref<33554432xf32, #tpu.memory_space<hbm>> -> memref<8192xf32, #tpu.memory_space<hbm>>
    %dma_start3A_40 = tpu.memref_slice %arg2[%mul3A_38] : memref<33554432xf32, #tpu.memory_space<hbm>> -> memref<8192xf32, #tpu.memory_space<hbm>>
    tpu.enqueue_dma source(%dma_start3A_40 : memref<8192xf32, #tpu.memory_space<hbm>>) target(%arg6 : memref<8192xf32, #tpu.memory_space<vmem>>) target_semaphore(%arg14 : memref<!tpu.dma_semaphore, #tpu.memory_space<semaphore_mem>>)
    %dma_wait3A_41 = arith.constant 0 : i32
    %dma_wait3A_42 = tpu.memref_slice %arg2[%dma_wait3A_41] : memref<33554432xf32, #tpu.memory_space<hbm>> -> memref<8192xf32, #tpu.memory_space<hbm>>
    %dma_wait3A_43 = arith.constant 0 : i32
    %dma_wait3A_44 = tpu.memref_slice %arg2[%dma_wait3A_43] : memref<33554432xf32, #tpu.memory_space<hbm>> -> memref<8192xf32, #tpu.memory_space<hbm>>
    tpu.wait_dma2 semaphore(%arg15 : memref<!tpu.dma_semaphore, #tpu.memory_space<semaphore_mem>>) src(%dma_wait3A_44 : memref<8192xf32, #tpu.memory_space<hbm>>) dst(%arg7 : memref<8192xf32, #tpu.memory_space<vmem>>)
    %parallel_loop3A_45 = arith.constant 0 : i32
    %parallel_loop3A_46 = arith.constant 128 : i32
    %parallel_loop3A_47 = arith.constant 1 : i32
    scf.for %parallel_loop3A_120 = %parallel_loop3A_45 to %parallel_loop3A_46 step %parallel_loop3A_47  : i32 {
      %parallel_loop3A_121 = arith.constant 16 : i32
      %parallel_loop3A_122 = arith.muli %parallel_loop3A_120, %parallel_loop3A_121 : i32
      %parallel_loop3A_123 = arith.index_cast %parallel_loop3A_122 : i32 to index
      %parallel_loop3A_124 = tpu.vector_load %arg5[%parallel_loop3A_123] {strides = array<i32>} : memref<2048xi32, #tpu.memory_space<vmem>>, vector<16xi32>,
      %parallel_loop3A_125 = arith.constant 0 : i32
      %parallel_loop3A_126 = vector.broadcast %parallel_loop3A_125 : i32 to vector<16xi32>
      %parallel_loop3A_127 = arith.addi %parallel_loop3A_124, %parallel_loop3A_126 : vector<16xi32>
      %parallel_loop3A_128 = tpu.vector_load_idx %arg7[%parallel_loop3A_127] : memref<8192xf32, #tpu.memory_space<vmem>>[vector<16xi32>], vector<16xf32>,
      %parallel_loop3A_129 = arith.constant 16 : i32
      %parallel_loop3A_130 = arith.muli %parallel_loop3A_120, %parallel_loop3A_129 : i32
      %parallel_loop3A_131 = arith.constant 0 : i32
      %parallel_loop3A_132 = arith.addi %parallel_loop3A_131, %parallel_loop3A_130 : i32
      %parallel_loop3A_133 = arith.index_cast %parallel_loop3A_132 : i32 to index
      %parallel_loop3A_134 = tpu.vector_load %arg11[%parallel_loop3A_133] {strides = array<i32>} : memref<8192xf32, #tpu.memory_space<vmem>>, vector<16xf32>,
      tpu.vector_store %arg11[%parallel_loop3A_133], %parallel_loop3A_128 {strides = array<i32>} : memref<8192xf32, #tpu.memory_space<vmem>>, vector<16xf32>,
      %parallel_loop3A_135 = arith.constant 2048 : i32
      %parallel_loop3A_136 = vector.broadcast %parallel_loop3A_135 : i32 to vector<16xi32>
      %parallel_loop3A_137 = arith.addi %parallel_loop3A_124, %parallel_loop3A_136 : vector<16xi32>
      %parallel_loop3A_138 = tpu.vector_load_idx %arg7[%parallel_loop3A_137] : memref<8192xf32, #tpu.memory_space<vmem>>[vector<16xi32>], vector<16xf32>,
      %parallel_loop3A_139 = arith.constant 16 : i32
      %parallel_loop3A_140 = arith.muli %parallel_loop3A_120, %parallel_loop3A_139 : i32
      %parallel_loop3A_141 = arith.constant 2048 : i32
      %parallel_loop3A_142 = arith.addi %parallel_loop3A_141, %parallel_loop3A_140 : i32
      %parallel_loop3A_143 = arith.index_cast %parallel_loop3A_142 : i32 to index
      %parallel_loop3A_144 = tpu.vector_load %arg11[%parallel_loop3A_143] {strides = array<i32>} : memref<8192xf32, #tpu.memory_space<vmem>>, vector<16xf32>,
      tpu.vector_store %arg11[%parallel_loop3A_143], %parallel_loop3A_138 {strides = array<i32>} : memref<8192xf32, #tpu.memory_space<vmem>>, vector<16xf32>,
      %parallel_loop3A_145 = arith.constant 4096 : i32
      %parallel_loop3A_146 = vector.broadcast %parallel_loop3A_145 : i32 to vector<16xi32>
      %parallel_loop3A_147 = arith.addi %parallel_loop3A_124, %parallel_loop3A_146 : vector<16xi32>
      %parallel_loop3A_148 = tpu.vector_load_idx %arg7[%parallel_loop3A_147] : memref<8192xf32, #tpu.memory_space<vmem>>[vector<16xi32>], vector<16xf32>,
      %parallel_loop3A_149 = arith.constant 16 : i32
      %parallel_loop3A_150 = arith.muli %parallel_loop3A_120, %parallel_loop3A_149 : i32
      %parallel_loop3A_151 = arith.constant 4096 : i32
      %parallel_loop3A_152 = arith.addi %parallel_loop3A_151, %parallel_loop3A_150 : i32
      %parallel_loop3A_153 = arith.index_cast %parallel_loop3A_152 : i32 to index
      %parallel_loop3A_154 = tpu.vector_load %arg11[%parallel_loop3A_153] {strides = array<i32>} : memref<8192xf32, #tpu.memory_space<vmem>>, vector<16xf32>,
      tpu.vector_store %arg11[%parallel_loop3A_153], %parallel_loop3A_148 {strides = array<i32>} : memref<8192xf32, #tpu.memory_space<vmem>>, vector<16xf32>,
      %parallel_loop3A_155 = arith.constant 6144 : i32
      %parallel_loop3A_156 = vector.broadcast %parallel_loop3A_155 : i32 to vector<16xi32>
      %parallel_loop3A_157 = arith.addi %parallel_loop3A_124, %parallel_loop3A_156 : vector<16xi32>
      %parallel_loop3A_158 = tpu.vector_load_idx %arg7[%parallel_loop3A_157] : memref<8192xf32, #tpu.memory_space<vmem>>[vector<16xi32>], vector<16xf32>,
      %parallel_loop3A_159 = arith.constant 16 : i32
      %parallel_loop3A_160 = arith.muli %parallel_loop3A_120, %parallel_loop3A_159 : i32
      %parallel_loop3A_161 = arith.constant 6144 : i32
      %parallel_loop3A_162 = arith.addi %parallel_loop3A_161, %parallel_loop3A_160 : i32
      %parallel_loop3A_163 = arith.index_cast %parallel_loop3A_162 : i32 to index
      %parallel_loop3A_164 = tpu.vector_load %arg11[%parallel_loop3A_163] {strides = array<i32>} : memref<8192xf32, #tpu.memory_space<vmem>>, vector<16xf32>,
      tpu.vector_store %arg11[%parallel_loop3A_163], %parallel_loop3A_158 {strides = array<i32>} : memref<8192xf32, #tpu.memory_space<vmem>>, vector<16xf32>,
    } {sc.loop_unroll_factor = 4 : i64, sc.parallel_access}
    %add3A_48 = arith.constant 32 : i32
    %add3A_49 = arith.addi %add3A_48, %add3A : i32
    %mul3A_50 = arith.constant 8192 : i32
    %mul3A_51 = arith.muli %add3A_49, %mul3A_50 : i32
    %dma_start3A_52 = tpu.memref_slice %arg4[%mul3A_51] : memref<33554432xf32, #tpu.memory_space<hbm>> -> memref<8192xf32, #tpu.memory_space<hbm>>
    %dma_start3A_53 = tpu.memref_slice %arg4[%mul3A_51] : memref<33554432xf32, #tpu.memory_space<hbm>> -> memref<8192xf32, #tpu.memory_space<hbm>>
    tpu.enqueue_dma source(%arg11 : memref<8192xf32, #tpu.memory_space<vmem>>) target(%dma_start3A_53 : memref<8192xf32, #tpu.memory_space<hbm>>) target_semaphore(%arg19 : memref<!tpu.dma_semaphore, #tpu.memory_space<semaphore_mem>>)
    %add3A_54 = arith.constant 160 : i32
    %add3A_55 = arith.addi %add3A_54, %add3A : i32
    %mul3A_56 = arith.constant 8192 : i32
    %mul3A_57 = arith.muli %add3A_55, %mul3A_56 : i32
    %dma_start3A_58 = tpu.memref_slice %arg2[%mul3A_57] : memref<33554432xf32, #tpu.memory_space<hbm>> -> memref<8192xf32, #tpu.memory_space<hbm>>
    %dma_start3A_59 = tpu.memref_slice %arg2[%mul3A_57] : memref<33554432xf32, #tpu.memory_space<hbm>> -> memref<8192xf32, #tpu.memory_space<hbm>>
    tpu.enqueue_dma source(%dma_start3A_59 : memref<8192xf32, #tpu.memory_space<hbm>>) target(%arg7 : memref<8192xf32, #tpu.memory_space<vmem>>) target_semaphore(%arg15 : memref<!tpu.dma_semaphore, #tpu.memory_space<semaphore_mem>>)
    %dma_wait3A_60 = arith.constant 0 : i32
    %dma_wait3A_61 = tpu.memref_slice %arg2[%dma_wait3A_60] : memref<33554432xf32, #tpu.memory_space<hbm>> -> memref<8192xf32, #tpu.memory_space<hbm>>
    %dma_wait3A_62 = arith.constant 0 : i32
    %dma_wait3A_63 = tpu.memref_slice %arg2[%dma_wait3A_62] : memref<33554432xf32, #tpu.memory_space<hbm>> -> memref<8192xf32, #tpu.memory_space<hbm>>
    tpu.wait_dma2 semaphore(%arg16 : memref<!tpu.dma_semaphore, #tpu.memory_space<semaphore_mem>>) src(%dma_wait3A_63 : memref<8192xf32, #tpu.memory_space<hbm>>) dst(%arg8 : memref<8192xf32, #tpu.memory_space<vmem>>)
    %parallel_loop3A_64 = arith.constant 0 : i32
    %parallel_loop3A_65 = arith.constant 128 : i32
    %parallel_loop3A_66 = arith.constant 1 : i32
    scf.for %parallel_loop3A_120 = %parallel_loop3A_64 to %parallel_loop3A_65 step %parallel_loop3A_66  : i32 {
      %parallel_loop3A_121 = arith.constant 16 : i32
      %parallel_loop3A_122 = arith.muli %parallel_loop3A_120, %parallel_loop3A_121 : i32
      %parallel_loop3A_123 = arith.index_cast %parallel_loop3A_122 : i32 to index
      %parallel_loop3A_124 = tpu.vector_load %arg5[%parallel_loop3A_123] {strides = array<i32>} : memref<2048xi32, #tpu.memory_space<vmem>>, vector<16xi32>,
      %parallel_loop3A_125 = arith.constant 0 : i32
      %parallel_loop3A_126 = vector.broadcast %parallel_loop3A_125 : i32 to vector<16xi32>
      %parallel_loop3A_127 = arith.addi %parallel_loop3A_124, %parallel_loop3A_126 : vector<16xi32>
      %parallel_loop3A_128 = tpu.vector_load_idx %arg8[%parallel_loop3A_127] : memref<8192xf32, #tpu.memory_space<vmem>>[vector<16xi32>], vector<16xf32>,
      %parallel_loop3A_129 = arith.constant 16 : i32
      %parallel_loop3A_130 = arith.muli %parallel_loop3A_120, %parallel_loop3A_129 : i32
      %parallel_loop3A_131 = arith.constant 0 : i32
      %parallel_loop3A_132 = arith.addi %parallel_loop3A_131, %parallel_loop3A_130 : i32
      %parallel_loop3A_133 = arith.index_cast %parallel_loop3A_132 : i32 to index
      %parallel_loop3A_134 = tpu.vector_load %arg12[%parallel_loop3A_133] {strides = array<i32>} : memref<8192xf32, #tpu.memory_space<vmem>>, vector<16xf32>,
      tpu.vector_store %arg12[%parallel_loop3A_133], %parallel_loop3A_128 {strides = array<i32>} : memref<8192xf32, #tpu.memory_space<vmem>>, vector<16xf32>,
      %parallel_loop3A_135 = arith.constant 2048 : i32
      %parallel_loop3A_136 = vector.broadcast %parallel_loop3A_135 : i32 to vector<16xi32>
      %parallel_loop3A_137 = arith.addi %parallel_loop3A_124, %parallel_loop3A_136 : vector<16xi32>
      %parallel_loop3A_138 = tpu.vector_load_idx %arg8[%parallel_loop3A_137] : memref<8192xf32, #tpu.memory_space<vmem>>[vector<16xi32>], vector<16xf32>,
      %parallel_loop3A_139 = arith.constant 16 : i32
      %parallel_loop3A_140 = arith.muli %parallel_loop3A_120, %parallel_loop3A_139 : i32
      %parallel_loop3A_141 = arith.constant 2048 : i32
      %parallel_loop3A_142 = arith.addi %parallel_loop3A_141, %parallel_loop3A_140 : i32
      %parallel_loop3A_143 = arith.index_cast %parallel_loop3A_142 : i32 to index
      %parallel_loop3A_144 = tpu.vector_load %arg12[%parallel_loop3A_143] {strides = array<i32>} : memref<8192xf32, #tpu.memory_space<vmem>>, vector<16xf32>,
      tpu.vector_store %arg12[%parallel_loop3A_143], %parallel_loop3A_138 {strides = array<i32>} : memref<8192xf32, #tpu.memory_space<vmem>>, vector<16xf32>,
      %parallel_loop3A_145 = arith.constant 4096 : i32
      %parallel_loop3A_146 = vector.broadcast %parallel_loop3A_145 : i32 to vector<16xi32>
      %parallel_loop3A_147 = arith.addi %parallel_loop3A_124, %parallel_loop3A_146 : vector<16xi32>
      %parallel_loop3A_148 = tpu.vector_load_idx %arg8[%parallel_loop3A_147] : memref<8192xf32, #tpu.memory_space<vmem>>[vector<16xi32>], vector<16xf32>,
      %parallel_loop3A_149 = arith.constant 16 : i32
      %parallel_loop3A_150 = arith.muli %parallel_loop3A_120, %parallel_loop3A_149 : i32
      %parallel_loop3A_151 = arith.constant 4096 : i32
      %parallel_loop3A_152 = arith.addi %parallel_loop3A_151, %parallel_loop3A_150 : i32
      %parallel_loop3A_153 = arith.index_cast %parallel_loop3A_152 : i32 to index
      %parallel_loop3A_154 = tpu.vector_load %arg12[%parallel_loop3A_153] {strides = array<i32>} : memref<8192xf32, #tpu.memory_space<vmem>>, vector<16xf32>,
      tpu.vector_store %arg12[%parallel_loop3A_153], %parallel_loop3A_148 {strides = array<i32>} : memref<8192xf32, #tpu.memory_space<vmem>>, vector<16xf32>,
      %parallel_loop3A_155 = arith.constant 6144 : i32
      %parallel_loop3A_156 = vector.broadcast %parallel_loop3A_155 : i32 to vector<16xi32>
      %parallel_loop3A_157 = arith.addi %parallel_loop3A_124, %parallel_loop3A_156 : vector<16xi32>
      %parallel_loop3A_158 = tpu.vector_load_idx %arg8[%parallel_loop3A_157] : memref<8192xf32, #tpu.memory_space<vmem>>[vector<16xi32>], vector<16xf32>,
      %parallel_loop3A_159 = arith.constant 16 : i32
      %parallel_loop3A_160 = arith.muli %parallel_loop3A_120, %parallel_loop3A_159 : i32
      %parallel_loop3A_161 = arith.constant 6144 : i32
      %parallel_loop3A_162 = arith.addi %parallel_loop3A_161, %parallel_loop3A_160 : i32
      %parallel_loop3A_163 = arith.index_cast %parallel_loop3A_162 : i32 to index
      %parallel_loop3A_164 = tpu.vector_load %arg12[%parallel_loop3A_163] {strides = array<i32>} : memref<8192xf32, #tpu.memory_space<vmem>>, vector<16xf32>,
      tpu.vector_store %arg12[%parallel_loop3A_163], %parallel_loop3A_158 {strides = array<i32>} : memref<8192xf32, #tpu.memory_space<vmem>>, vector<16xf32>,
    } {sc.loop_unroll_factor = 4 : i64, sc.parallel_access}
    %add3A_67 = arith.constant 64 : i32
    %add3A_68 = arith.addi %add3A_67, %add3A : i32
    %mul3A_69 = arith.constant 8192 : i32
    %mul3A_70 = arith.muli %add3A_68, %mul3A_69 : i32
    %dma_start3A_71 = tpu.memref_slice %arg4[%mul3A_70] : memref<33554432xf32, #tpu.memory_space<hbm>> -> memref<8192xf32, #tpu.memory_space<hbm>>
    %dma_start3A_72 = tpu.memref_slice %arg4[%mul3A_70] : memref<33554432xf32, #tpu.memory_space<hbm>> -> memref<8192xf32, #tpu.memory_space<hbm>>
    tpu.enqueue_dma source(%arg12 : memref<8192xf32, #tpu.memory_space<vmem>>) target(%dma_start3A_72 : memref<8192xf32, #tpu.memory_space<hbm>>) target_semaphore(%arg20 : memref<!tpu.dma_semaphore, #tpu.memory_space<semaphore_mem>>)
    %add3A_73 = arith.constant 192 : i32
    %add3A_74 = arith.addi %add3A_73, %add3A : i32
    %mul3A_75 = arith.constant 8192 : i32
    %mul3A_76 = arith.muli %add3A_74, %mul3A_75 : i32
    %dma_start3A_77 = tpu.memref_slice %arg2[%mul3A_76] : memref<33554432xf32, #tpu.memory_space<hbm>> -> memref<8192xf32, #tpu.memory_space<hbm>>
    %dma_start3A_78 = tpu.memref_slice %arg2[%mul3A_76] : memref<33554432xf32, #tpu.memory_space<hbm>> -> memref<8192xf32, #tpu.memory_space<hbm>>
    tpu.enqueue_dma source(%dma_start3A_78 : memref<8192xf32, #tpu.memory_space<hbm>>) target(%arg8 : memref<8192xf32, #tpu.memory_space<vmem>>) target_semaphore(%arg16 : memref<!tpu.dma_semaphore, #tpu.memory_space<semaphore_mem>>)
    %dma_wait3A_79 = arith.constant 0 : i32
    %dma_wait3A_80 = tpu.memref_slice %arg2[%dma_wait3A_79] : memref<33554432xf32, #tpu.memory_space<hbm>> -> memref<8192xf32, #tpu.memory_space<hbm>>
    %dma_wait3A_81 = arith.constant 0 : i32
    %dma_wait3A_82 = tpu.memref_slice %arg2[%dma_wait3A_81] : memref<33554432xf32, #tpu.memory_space<hbm>> -> memref<8192xf32, #tpu.memory_space<hbm>>
    tpu.wait_dma2 semaphore(%arg17 : memref<!tpu.dma_semaphore, #tpu.memory_space<semaphore_mem>>) src(%dma_wait3A_82 : memref<8192xf32, #tpu.memory_space<hbm>>) dst(%arg9 : memref<8192xf32, #tpu.memory_space<vmem>>)
    %parallel_loop3A_83 = arith.constant 0 : i32
    %parallel_loop3A_84 = arith.constant 128 : i32
    %parallel_loop3A_85 = arith.constant 1 : i32
    scf.for %parallel_loop3A_120 = %parallel_loop3A_83 to %parallel_loop3A_84 step %parallel_loop3A_85  : i32 {
      %parallel_loop3A_121 = arith.constant 16 : i32
      %parallel_loop3A_122 = arith.muli %parallel_loop3A_120, %parallel_loop3A_121 : i32
      %parallel_loop3A_123 = arith.index_cast %parallel_loop3A_122 : i32 to index
      %parallel_loop3A_124 = tpu.vector_load %arg5[%parallel_loop3A_123] {strides = array<i32>} : memref<2048xi32, #tpu.memory_space<vmem>>, vector<16xi32>,
      %parallel_loop3A_125 = arith.constant 0 : i32
      %parallel_loop3A_126 = vector.broadcast %parallel_loop3A_125 : i32 to vector<16xi32>
      %parallel_loop3A_127 = arith.addi %parallel_loop3A_124, %parallel_loop3A_126 : vector<16xi32>
      %parallel_loop3A_128 = tpu.vector_load_idx %arg9[%parallel_loop3A_127] : memref<8192xf32, #tpu.memory_space<vmem>>[vector<16xi32>], vector<16xf32>,
      %parallel_loop3A_129 = arith.constant 16 : i32
      %parallel_loop3A_130 = arith.muli %parallel_loop3A_120, %parallel_loop3A_129 : i32
      %parallel_loop3A_131 = arith.constant 0 : i32
      %parallel_loop3A_132 = arith.addi %parallel_loop3A_131, %parallel_loop3A_130 : i32
      %parallel_loop3A_133 = arith.index_cast %parallel_loop3A_132 : i32 to index
      %parallel_loop3A_134 = tpu.vector_load %arg13[%parallel_loop3A_133] {strides = array<i32>} : memref<8192xf32, #tpu.memory_space<vmem>>, vector<16xf32>,
      tpu.vector_store %arg13[%parallel_loop3A_133], %parallel_loop3A_128 {strides = array<i32>} : memref<8192xf32, #tpu.memory_space<vmem>>, vector<16xf32>,
      %parallel_loop3A_135 = arith.constant 2048 : i32
      %parallel_loop3A_136 = vector.broadcast %parallel_loop3A_135 : i32 to vector<16xi32>
      %parallel_loop3A_137 = arith.addi %parallel_loop3A_124, %parallel_loop3A_136 : vector<16xi32>
      %parallel_loop3A_138 = tpu.vector_load_idx %arg9[%parallel_loop3A_137] : memref<8192xf32, #tpu.memory_space<vmem>>[vector<16xi32>], vector<16xf32>,
      %parallel_loop3A_139 = arith.constant 16 : i32
      %parallel_loop3A_140 = arith.muli %parallel_loop3A_120, %parallel_loop3A_139 : i32
      %parallel_loop3A_141 = arith.constant 2048 : i32
      %parallel_loop3A_142 = arith.addi %parallel_loop3A_141, %parallel_loop3A_140 : i32
      %parallel_loop3A_143 = arith.index_cast %parallel_loop3A_142 : i32 to index
      %parallel_loop3A_144 = tpu.vector_load %arg13[%parallel_loop3A_143] {strides = array<i32>} : memref<8192xf32, #tpu.memory_space<vmem>>, vector<16xf32>,
      tpu.vector_store %arg13[%parallel_loop3A_143], %parallel_loop3A_138 {strides = array<i32>} : memref<8192xf32, #tpu.memory_space<vmem>>, vector<16xf32>,
      %parallel_loop3A_145 = arith.constant 4096 : i32
      %parallel_loop3A_146 = vector.broadcast %parallel_loop3A_145 : i32 to vector<16xi32>
      %parallel_loop3A_147 = arith.addi %parallel_loop3A_124, %parallel_loop3A_146 : vector<16xi32>
      %parallel_loop3A_148 = tpu.vector_load_idx %arg9[%parallel_loop3A_147] : memref<8192xf32, #tpu.memory_space<vmem>>[vector<16xi32>], vector<16xf32>,
      %parallel_loop3A_149 = arith.constant 16 : i32
      %parallel_loop3A_150 = arith.muli %parallel_loop3A_120, %parallel_loop3A_149 : i32
      %parallel_loop3A_151 = arith.constant 4096 : i32
      %parallel_loop3A_152 = arith.addi %parallel_loop3A_151, %parallel_loop3A_150 : i32
      %parallel_loop3A_153 = arith.index_cast %parallel_loop3A_152 : i32 to index
      %parallel_loop3A_154 = tpu.vector_load %arg13[%parallel_loop3A_153] {strides = array<i32>} : memref<8192xf32, #tpu.memory_space<vmem>>, vector<16xf32>,
      tpu.vector_store %arg13[%parallel_loop3A_153], %parallel_loop3A_148 {strides = array<i32>} : memref<8192xf32, #tpu.memory_space<vmem>>, vector<16xf32>,
      %parallel_loop3A_155 = arith.constant 6144 : i32
      %parallel_loop3A_156 = vector.broadcast %parallel_loop3A_155 : i32 to vector<16xi32>
      %parallel_loop3A_157 = arith.addi %parallel_loop3A_124, %parallel_loop3A_156 : vector<16xi32>
      %parallel_loop3A_158 = tpu.vector_load_idx %arg9[%parallel_loop3A_157] : memref<8192xf32, #tpu.memory_space<vmem>>[vector<16xi32>], vector<16xf32>,
      %parallel_loop3A_159 = arith.constant 16 : i32
      %parallel_loop3A_160 = arith.muli %parallel_loop3A_120, %parallel_loop3A_159 : i32
      %parallel_loop3A_161 = arith.constant 6144 : i32
      %parallel_loop3A_162 = arith.addi %parallel_loop3A_161, %parallel_loop3A_160 : i32
      %parallel_loop3A_163 = arith.index_cast %parallel_loop3A_162 : i32 to index
      %parallel_loop3A_164 = tpu.vector_load %arg13[%parallel_loop3A_163] {strides = array<i32>} : memref<8192xf32, #tpu.memory_space<vmem>>, vector<16xf32>,
      tpu.vector_store %arg13[%parallel_loop3A_163], %parallel_loop3A_158 {strides = array<i32>} : memref<8192xf32, #tpu.memory_space<vmem>>, vector<16xf32>,
    } {sc.loop_unroll_factor = 4 : i64, sc.parallel_access}
    %add3A_86 = arith.constant 96 : i32
    %add3A_87 = arith.addi %add3A_86, %add3A : i32
    %mul3A_88 = arith.constant 8192 : i32
    %mul3A_89 = arith.muli %add3A_87, %mul3A_88 : i32
    %dma_start3A_90 = tpu.memref_slice %arg4[%mul3A_89] : memref<33554432xf32, #tpu.memory_space<hbm>> -> memref<8192xf32, #tpu.memory_space<hbm>>
    %dma_start3A_91 = tpu.memref_slice %arg4[%mul3A_89] : memref<33554432xf32, #tpu.memory_space<hbm>> -> memref<8192xf32, #tpu.memory_space<hbm>>
    tpu.enqueue_dma source(%arg13 : memref<8192xf32, #tpu.memory_space<vmem>>) target(%dma_start3A_91 : memref<8192xf32, #tpu.memory_space<hbm>>) target_semaphore(%arg21 : memref<!tpu.dma_semaphore, #tpu.memory_space<semaphore_mem>>)
    %add3A_92 = arith.constant 224 : i32
    %add3A_93 = arith.addi %add3A_92, %add3A : i32
    %mul3A_94 = arith.constant 8192 : i32
    %mul3A_95 = arith.muli %add3A_93, %mul3A_94 : i32
    %dma_start3A_96 = tpu.memref_slice %arg2[%mul3A_95] : memref<33554432xf32, #tpu.memory_space<hbm>> -> memref<8192xf32, #tpu.memory_space<hbm>>
    %dma_start3A_97 = tpu.memref_slice %arg2[%mul3A_95] : memref<33554432xf32, #tpu.memory_space<hbm>> -> memref<8192xf32, #tpu.memory_space<hbm>>
    tpu.enqueue_dma source(%dma_start3A_97 : memref<8192xf32, #tpu.memory_space<hbm>>) target(%arg9 : memref<8192xf32, #tpu.memory_space<vmem>>) target_semaphore(%arg17 : memref<!tpu.dma_semaphore, #tpu.memory_space<semaphore_mem>>)
    %scan3A = arith.constant 0 : i32
    %scan3A_98 = arith.constant 1 : i32
    %scan3A_99 = arith.constant 31 : i32
    %scan3A_100 = arith.addi %scan3A_98, %scan3A_99 : i32
    %scan3A_101 = arith.constant 1 : i32
    %scan3A_102 = scf.for %scan3A_120 = %scan3A_98 to %scan3A_100 step %scan3A_101 iter_args(%scan3A_121 = %scan3A) -> (i32)  : i32 {
      %mul3A_122 = arith.constant 4 : i32
      %mul3A_123 = arith.muli %scan3A_120, %mul3A_122 : i32
      %add3A_124 = arith.constant 0 : i32
      %add3A_125 = arith.addi %mul3A_123, %add3A_124 : i32
      %dma_wait3A_126 = arith.constant 0 : i32
      %dma_wait3A_127 = tpu.memref_slice %arg2[%dma_wait3A_126] : memref<33554432xf32, #tpu.memory_space<hbm>> -> memref<8192xf32, #tpu.memory_space<hbm>>
      %dma_wait3A_128 = arith.constant 0 : i32
      %dma_wait3A_129 = tpu.memref_slice %arg2[%dma_wait3A_128] : memref<33554432xf32, #tpu.memory_space<hbm>> -> memref<8192xf32, #tpu.memory_space<hbm>>
      tpu.wait_dma2 semaphore(%arg14 : memref<!tpu.dma_semaphore, #tpu.memory_space<semaphore_mem>>) src(%dma_wait3A_129 : memref<8192xf32, #tpu.memory_space<hbm>>) dst(%arg6 : memref<8192xf32, #tpu.memory_space<vmem>>)
      %dma_wait3A_130 = arith.constant 0 : i32
      %dma_wait3A_131 = tpu.memref_slice %arg4[%dma_wait3A_130] : memref<33554432xf32, #tpu.memory_space<hbm>> -> memref<8192xf32, #tpu.memory_space<hbm>>
      %dma_wait3A_132 = arith.constant 0 : i32
      %dma_wait3A_133 = tpu.memref_slice %arg4[%dma_wait3A_132] : memref<33554432xf32, #tpu.memory_space<hbm>> -> memref<8192xf32, #tpu.memory_space<hbm>>
      tpu.wait_dma2 semaphore(%arg18 : memref<!tpu.dma_semaphore, #tpu.memory_space<semaphore_mem>>) src(%arg10 : memref<8192xf32, #tpu.memory_space<vmem>>) dst(%dma_wait3A_133 : memref<8192xf32, #tpu.memory_space<hbm>>)
      %parallel_loop3A_134 = arith.constant 0 : i32
      %parallel_loop3A_135 = arith.constant 128 : i32
      %parallel_loop3A_136 = arith.constant 1 : i32
      scf.for %parallel_loop3A_236 = %parallel_loop3A_134 to %parallel_loop3A_135 step %parallel_loop3A_136  : i32 {
        %parallel_loop3A_237 = arith.constant 16 : i32
        %parallel_loop3A_238 = arith.muli %parallel_loop3A_236, %parallel_loop3A_237 : i32
        %parallel_loop3A_239 = arith.index_cast %parallel_loop3A_238 : i32 to index
        %parallel_loop3A_240 = tpu.vector_load %arg5[%parallel_loop3A_239] {strides = array<i32>} : memref<2048xi32, #tpu.memory_space<vmem>>, vector<16xi32>,
        %parallel_loop3A_241 = arith.constant 0 : i32
        %parallel_loop3A_242 = vector.broadcast %parallel_loop3A_241 : i32 to vector<16xi32>
        %parallel_loop3A_243 = arith.addi %parallel_loop3A_240, %parallel_loop3A_242 : vector<16xi32>
        %parallel_loop3A_244 = tpu.vector_load_idx %arg6[%parallel_loop3A_243] : memref<8192xf32, #tpu.memory_space<vmem>>[vector<16xi32>], vector<16xf32>,
        %parallel_loop3A_245 = arith.constant 16 : i32
        %parallel_loop3A_246 = arith.muli %parallel_loop3A_236, %parallel_loop3A_245 : i32
        %parallel_loop3A_247 = arith.constant 0 : i32
        %parallel_loop3A_248 = arith.addi %parallel_loop3A_247, %parallel_loop3A_246 : i32
        %parallel_loop3A_249 = arith.index_cast %parallel_loop3A_248 : i32 to index
        %parallel_loop3A_250 = tpu.vector_load %arg10[%parallel_loop3A_249] {strides = array<i32>} : memref<8192xf32, #tpu.memory_space<vmem>>, vector<16xf32>,
        tpu.vector_store %arg10[%parallel_loop3A_249], %parallel_loop3A_244 {strides = array<i32>} : memref<8192xf32, #tpu.memory_space<vmem>>, vector<16xf32>,
        %parallel_loop3A_251 = arith.constant 2048 : i32
        %parallel_loop3A_252 = vector.broadcast %parallel_loop3A_251 : i32 to vector<16xi32>
        %parallel_loop3A_253 = arith.addi %parallel_loop3A_240, %parallel_loop3A_252 : vector<16xi32>
        %parallel_loop3A_254 = tpu.vector_load_idx %arg6[%parallel_loop3A_253] : memref<8192xf32, #tpu.memory_space<vmem>>[vector<16xi32>], vector<16xf32>,
        %parallel_loop3A_255 = arith.constant 16 : i32
        %parallel_loop3A_256 = arith.muli %parallel_loop3A_236, %parallel_loop3A_255 : i32
        %parallel_loop3A_257 = arith.constant 2048 : i32
        %parallel_loop3A_258 = arith.addi %parallel_loop3A_257, %parallel_loop3A_256 : i32
        %parallel_loop3A_259 = arith.index_cast %parallel_loop3A_258 : i32 to index
        %parallel_loop3A_260 = tpu.vector_load %arg10[%parallel_loop3A_259] {strides = array<i32>} : memref<8192xf32, #tpu.memory_space<vmem>>, vector<16xf32>,
        tpu.vector_store %arg10[%parallel_loop3A_259], %parallel_loop3A_254 {strides = array<i32>} : memref<8192xf32, #tpu.memory_space<vmem>>, vector<16xf32>,
        %parallel_loop3A_261 = arith.constant 4096 : i32
        %parallel_loop3A_262 = vector.broadcast %parallel_loop3A_261 : i32 to vector<16xi32>
        %parallel_loop3A_263 = arith.addi %parallel_loop3A_240, %parallel_loop3A_262 : vector<16xi32>
        %parallel_loop3A_264 = tpu.vector_load_idx %arg6[%parallel_loop3A_263] : memref<8192xf32, #tpu.memory_space<vmem>>[vector<16xi32>], vector<16xf32>,
        %parallel_loop3A_265 = arith.constant 16 : i32
        %parallel_loop3A_266 = arith.muli %parallel_loop3A_236, %parallel_loop3A_265 : i32
        %parallel_loop3A_267 = arith.constant 4096 : i32
        %parallel_loop3A_268 = arith.addi %parallel_loop3A_267, %parallel_loop3A_266 : i32
        %parallel_loop3A_269 = arith.index_cast %parallel_loop3A_268 : i32 to index
        %parallel_loop3A_270 = tpu.vector_load %arg10[%parallel_loop3A_269] {strides = array<i32>} : memref<8192xf32, #tpu.memory_space<vmem>>, vector<16xf32>,
        tpu.vector_store %arg10[%parallel_loop3A_269], %parallel_loop3A_264 {strides = array<i32>} : memref<8192xf32, #tpu.memory_space<vmem>>, vector<16xf32>,
        %parallel_loop3A_271 = arith.constant 6144 : i32
        %parallel_loop3A_272 = vector.broadcast %parallel_loop3A_271 : i32 to vector<16xi32>
        %parallel_loop3A_273 = arith.addi %parallel_loop3A_240, %parallel_loop3A_272 : vector<16xi32>
        %parallel_loop3A_274 = tpu.vector_load_idx %arg6[%parallel_loop3A_273] : memref<8192xf32, #tpu.memory_space<vmem>>[vector<16xi32>], vector<16xf32>,
        %parallel_loop3A_275 = arith.constant 16 : i32
        %parallel_loop3A_276 = arith.muli %parallel_loop3A_236, %parallel_loop3A_275 : i32
        %parallel_loop3A_277 = arith.constant 6144 : i32
        %parallel_loop3A_278 = arith.addi %parallel_loop3A_277, %parallel_loop3A_276 : i32
        %parallel_loop3A_279 = arith.index_cast %parallel_loop3A_278 : i32 to index
        %parallel_loop3A_280 = tpu.vector_load %arg10[%parallel_loop3A_279] {strides = array<i32>} : memref<8192xf32, #tpu.memory_space<vmem>>, vector<16xf32>,
        tpu.vector_store %arg10[%parallel_loop3A_279], %parallel_loop3A_274 {strides = array<i32>} : memref<8192xf32, #tpu.memory_space<vmem>>, vector<16xf32>,
      } {sc.loop_unroll_factor = 4 : i64, sc.parallel_access}
      %mul3A_137 = arith.constant 32 : i32
      %mul3A_138 = arith.muli %add3A_125, %mul3A_137 : i32
      %add3A_139 = arith.addi %mul3A_138, %add3A : i32
      %mul3A_140 = arith.constant 8192 : i32
      %mul3A_141 = arith.muli %add3A_139, %mul3A_140 : i32
      %dma_start3A_142 = tpu.memref_slice %arg4[%mul3A_141] : memref<33554432xf32, #tpu.memory_space<hbm>> -> memref<8192xf32, #tpu.memory_space<hbm>>
      %dma_start3A_143 = tpu.memref_slice %arg4[%mul3A_141] : memref<33554432xf32, #tpu.memory_space<hbm>> -> memref<8192xf32, #tpu.memory_space<hbm>>
      tpu.enqueue_dma source(%arg10 : memref<8192xf32, #tpu.memory_space<vmem>>) target(%dma_start3A_143 : memref<8192xf32, #tpu.memory_space<hbm>>) target_semaphore(%arg18 : memref<!tpu.dma_semaphore, #tpu.memory_space<semaphore_mem>>)
      %add3A_144 = arith.constant 4 : i32
      %add3A_145 = arith.addi %add3A_125, %add3A_144 : i32
      %lt3A = arith.constant 128 : i32
      %lt3A_146 = arith.cmpi slt, %add3A_145, %lt3A : i32
      %convert_element_type3A = arith.extui %lt3A_146 : i1 to i32
      %cond3A = arith.constant 0 : i32
      %cond3A_147 = arith.cmpi ne, %convert_element_type3A, %cond3A : i32
      scf.if %cond3A_147 {
        %add3A_236 = arith.constant 4 : i32
        %add3A_237 = arith.addi %add3A_125, %add3A_236 : i32
        %mul3A_238 = arith.constant 32 : i32
        %mul3A_239 = arith.muli %add3A_237, %mul3A_238 : i32
        %add3A_240 = arith.addi %mul3A_239, %add3A : i32
        %mul3A_241 = arith.constant 8192 : i32
        %mul3A_242 = arith.muli %add3A_240, %mul3A_241 : i32
        %dma_start3A_243 = tpu.memref_slice %arg2[%mul3A_242] : memref<33554432xf32, #tpu.memory_space<hbm>> -> memref<8192xf32, #tpu.memory_space<hbm>>
        %dma_start3A_244 = tpu.memref_slice %arg2[%mul3A_242] : memref<33554432xf32, #tpu.memory_space<hbm>> -> memref<8192xf32, #tpu.memory_space<hbm>>
        tpu.enqueue_dma source(%dma_start3A_244 : memref<8192xf32, #tpu.memory_space<hbm>>) target(%arg6 : memref<8192xf32, #tpu.memory_space<vmem>>) target_semaphore(%arg14 : memref<!tpu.dma_semaphore, #tpu.memory_space<semaphore_mem>>)
      } else {
      }
      %mul3A_148 = arith.constant 4 : i32
      %mul3A_149 = arith.muli %scan3A_120, %mul3A_148 : i32
      %add3A_150 = arith.constant 1 : i32
      %add3A_151 = arith.addi %mul3A_149, %add3A_150 : i32
      %dma_wait3A_152 = arith.constant 0 : i32
      %dma_wait3A_153 = tpu.memref_slice %arg2[%dma_wait3A_152] : memref<33554432xf32, #tpu.memory_space<hbm>> -> memref<8192xf32, #tpu.memory_space<hbm>>
      %dma_wait3A_154 = arith.constant 0 : i32
      %dma_wait3A_155 = tpu.memref_slice %arg2[%dma_wait3A_154] : memref<33554432xf32, #tpu.memory_space<hbm>> -> memref<8192xf32, #tpu.memory_space<hbm>>
      tpu.wait_dma2 semaphore(%arg15 : memref<!tpu.dma_semaphore, #tpu.memory_space<semaphore_mem>>) src(%dma_wait3A_155 : memref<8192xf32, #tpu.memory_space<hbm>>) dst(%arg7 : memref<8192xf32, #tpu.memory_space<vmem>>)
      %dma_wait3A_156 = arith.constant 0 : i32
      %dma_wait3A_157 = tpu.memref_slice %arg4[%dma_wait3A_156] : memref<33554432xf32, #tpu.memory_space<hbm>> -> memref<8192xf32, #tpu.memory_space<hbm>>
      %dma_wait3A_158 = arith.constant 0 : i32
      %dma_wait3A_159 = tpu.memref_slice %arg4[%dma_wait3A_158] : memref<33554432xf32, #tpu.memory_space<hbm>> -> memref<8192xf32, #tpu.memory_space<hbm>>
      tpu.wait_dma2 semaphore(%arg19 : memref<!tpu.dma_semaphore, #tpu.memory_space<semaphore_mem>>) src(%arg11 : memref<8192xf32, #tpu.memory_space<vmem>>) dst(%dma_wait3A_159 : memref<8192xf32, #tpu.memory_space<hbm>>)
      %parallel_loop3A_160 = arith.constant 0 : i32
      %parallel_loop3A_161 = arith.constant 128 : i32
      %parallel_loop3A_162 = arith.constant 1 : i32
      scf.for %parallel_loop3A_236 = %parallel_loop3A_160 to %parallel_loop3A_161 step %parallel_loop3A_162  : i32 {
        %parallel_loop3A_237 = arith.constant 16 : i32
        %parallel_loop3A_238 = arith.muli %parallel_loop3A_236, %parallel_loop3A_237 : i32
        %parallel_loop3A_239 = arith.index_cast %parallel_loop3A_238 : i32 to index
        %parallel_loop3A_240 = tpu.vector_load %arg5[%parallel_loop3A_239] {strides = array<i32>} : memref<2048xi32, #tpu.memory_space<vmem>>, vector<16xi32>,
        %parallel_loop3A_241 = arith.constant 0 : i32
        %parallel_loop3A_242 = vector.broadcast %parallel_loop3A_241 : i32 to vector<16xi32>
        %parallel_loop3A_243 = arith.addi %parallel_loop3A_240, %parallel_loop3A_242 : vector<16xi32>
        %parallel_loop3A_244 = tpu.vector_load_idx %arg7[%parallel_loop3A_243] : memref<8192xf32, #tpu.memory_space<vmem>>[vector<16xi32>], vector<16xf32>,
        %parallel_loop3A_245 = arith.constant 16 : i32
        %parallel_loop3A_246 = arith.muli %parallel_loop3A_236, %parallel_loop3A_245 : i32
        %parallel_loop3A_247 = arith.constant 0 : i32
        %parallel_loop3A_248 = arith.addi %parallel_loop3A_247, %parallel_loop3A_246 : i32
        %parallel_loop3A_249 = arith.index_cast %parallel_loop3A_248 : i32 to index
        %parallel_loop3A_250 = tpu.vector_load %arg11[%parallel_loop3A_249] {strides = array<i32>} : memref<8192xf32, #tpu.memory_space<vmem>>, vector<16xf32>,
        tpu.vector_store %arg11[%parallel_loop3A_249], %parallel_loop3A_244 {strides = array<i32>} : memref<8192xf32, #tpu.memory_space<vmem>>, vector<16xf32>,
        %parallel_loop3A_251 = arith.constant 2048 : i32
        %parallel_loop3A_252 = vector.broadcast %parallel_loop3A_251 : i32 to vector<16xi32>
        %parallel_loop3A_253 = arith.addi %parallel_loop3A_240, %parallel_loop3A_252 : vector<16xi32>
        %parallel_loop3A_254 = tpu.vector_load_idx %arg7[%parallel_loop3A_253] : memref<8192xf32, #tpu.memory_space<vmem>>[vector<16xi32>], vector<16xf32>,
        %parallel_loop3A_255 = arith.constant 16 : i32
        %parallel_loop3A_256 = arith.muli %parallel_loop3A_236, %parallel_loop3A_255 : i32
        %parallel_loop3A_257 = arith.constant 2048 : i32
        %parallel_loop3A_258 = arith.addi %parallel_loop3A_257, %parallel_loop3A_256 : i32
        %parallel_loop3A_259 = arith.index_cast %parallel_loop3A_258 : i32 to index
        %parallel_loop3A_260 = tpu.vector_load %arg11[%parallel_loop3A_259] {strides = array<i32>} : memref<8192xf32, #tpu.memory_space<vmem>>, vector<16xf32>,
        tpu.vector_store %arg11[%parallel_loop3A_259], %parallel_loop3A_254 {strides = array<i32>} : memref<8192xf32, #tpu.memory_space<vmem>>, vector<16xf32>,
        %parallel_loop3A_261 = arith.constant 4096 : i32
        %parallel_loop3A_262 = vector.broadcast %parallel_loop3A_261 : i32 to vector<16xi32>
        %parallel_loop3A_263 = arith.addi %parallel_loop3A_240, %parallel_loop3A_262 : vector<16xi32>
        %parallel_loop3A_264 = tpu.vector_load_idx %arg7[%parallel_loop3A_263] : memref<8192xf32, #tpu.memory_space<vmem>>[vector<16xi32>], vector<16xf32>,
        %parallel_loop3A_265 = arith.constant 16 : i32
        %parallel_loop3A_266 = arith.muli %parallel_loop3A_236, %parallel_loop3A_265 : i32
        %parallel_loop3A_267 = arith.constant 4096 : i32
        %parallel_loop3A_268 = arith.addi %parallel_loop3A_267, %parallel_loop3A_266 : i32
        %parallel_loop3A_269 = arith.index_cast %parallel_loop3A_268 : i32 to index
        %parallel_loop3A_270 = tpu.vector_load %arg11[%parallel_loop3A_269] {strides = array<i32>} : memref<8192xf32, #tpu.memory_space<vmem>>, vector<16xf32>,
        tpu.vector_store %arg11[%parallel_loop3A_269], %parallel_loop3A_264 {strides = array<i32>} : memref<8192xf32, #tpu.memory_space<vmem>>, vector<16xf32>,
        %parallel_loop3A_271 = arith.constant 6144 : i32
        %parallel_loop3A_272 = vector.broadcast %parallel_loop3A_271 : i32 to vector<16xi32>
        %parallel_loop3A_273 = arith.addi %parallel_loop3A_240, %parallel_loop3A_272 : vector<16xi32>
        %parallel_loop3A_274 = tpu.vector_load_idx %arg7[%parallel_loop3A_273] : memref<8192xf32, #tpu.memory_space<vmem>>[vector<16xi32>], vector<16xf32>,
        %parallel_loop3A_275 = arith.constant 16 : i32
        %parallel_loop3A_276 = arith.muli %parallel_loop3A_236, %parallel_loop3A_275 : i32
        %parallel_loop3A_277 = arith.constant 6144 : i32
        %parallel_loop3A_278 = arith.addi %parallel_loop3A_277, %parallel_loop3A_276 : i32
        %parallel_loop3A_279 = arith.index_cast %parallel_loop3A_278 : i32 to index
        %parallel_loop3A_280 = tpu.vector_load %arg11[%parallel_loop3A_279] {strides = array<i32>} : memref<8192xf32, #tpu.memory_space<vmem>>, vector<16xf32>,
        tpu.vector_store %arg11[%parallel_loop3A_279], %parallel_loop3A_274 {strides = array<i32>} : memref<8192xf32, #tpu.memory_space<vmem>>, vector<16xf32>,
      } {sc.loop_unroll_factor = 4 : i64, sc.parallel_access}
      %mul3A_163 = arith.constant 32 : i32
      %mul3A_164 = arith.muli %add3A_151, %mul3A_163 : i32
      %add3A_165 = arith.addi %mul3A_164, %add3A : i32
      %mul3A_166 = arith.constant 8192 : i32
      %mul3A_167 = arith.muli %add3A_165, %mul3A_166 : i32
      %dma_start3A_168 = tpu.memref_slice %arg4[%mul3A_167] : memref<33554432xf32, #tpu.memory_space<hbm>> -> memref<8192xf32, #tpu.memory_space<hbm>>
      %dma_start3A_169 = tpu.memref_slice %arg4[%mul3A_167] : memref<33554432xf32, #tpu.memory_space<hbm>> -> memref<8192xf32, #tpu.memory_space<hbm>>
      tpu.enqueue_dma source(%arg11 : memref<8192xf32, #tpu.memory_space<vmem>>) target(%dma_start3A_169 : memref<8192xf32, #tpu.memory_space<hbm>>) target_semaphore(%arg19 : memref<!tpu.dma_semaphore, #tpu.memory_space<semaphore_mem>>)
      %add3A_170 = arith.constant 4 : i32
      %add3A_171 = arith.addi %add3A_151, %add3A_170 : i32
      %lt3A_172 = arith.constant 128 : i32
      %lt3A_173 = arith.cmpi slt, %add3A_171, %lt3A_172 : i32
      %convert_element_type3A_174 = arith.extui %lt3A_173 : i1 to i32
      %cond3A_175 = arith.constant 0 : i32
      %cond3A_176 = arith.cmpi ne, %convert_element_type3A_174, %cond3A_175 : i32
      scf.if %cond3A_176 {
        %add3A_236 = arith.constant 4 : i32
        %add3A_237 = arith.addi %add3A_151, %add3A_236 : i32
        %mul3A_238 = arith.constant 32 : i32
        %mul3A_239 = arith.muli %add3A_237, %mul3A_238 : i32
        %add3A_240 = arith.addi %mul3A_239, %add3A : i32
        %mul3A_241 = arith.constant 8192 : i32
        %mul3A_242 = arith.muli %add3A_240, %mul3A_241 : i32
        %dma_start3A_243 = tpu.memref_slice %arg2[%mul3A_242] : memref<33554432xf32, #tpu.memory_space<hbm>> -> memref<8192xf32, #tpu.memory_space<hbm>>
        %dma_start3A_244 = tpu.memref_slice %arg2[%mul3A_242] : memref<33554432xf32, #tpu.memory_space<hbm>> -> memref<8192xf32, #tpu.memory_space<hbm>>
        tpu.enqueue_dma source(%dma_start3A_244 : memref<8192xf32, #tpu.memory_space<hbm>>) target(%arg7 : memref<8192xf32, #tpu.memory_space<vmem>>) target_semaphore(%arg15 : memref<!tpu.dma_semaphore, #tpu.memory_space<semaphore_mem>>)
      } else {
      }
      %mul3A_177 = arith.constant 4 : i32
      %mul3A_178 = arith.muli %scan3A_120, %mul3A_177 : i32
      %add3A_179 = arith.constant 2 : i32
      %add3A_180 = arith.addi %mul3A_178, %add3A_179 : i32
      %dma_wait3A_181 = arith.constant 0 : i32
      %dma_wait3A_182 = tpu.memref_slice %arg2[%dma_wait3A_181] : memref<33554432xf32, #tpu.memory_space<hbm>> -> memref<8192xf32, #tpu.memory_space<hbm>>
      %dma_wait3A_183 = arith.constant 0 : i32
      %dma_wait3A_184 = tpu.memref_slice %arg2[%dma_wait3A_183] : memref<33554432xf32, #tpu.memory_space<hbm>> -> memref<8192xf32, #tpu.memory_space<hbm>>
      tpu.wait_dma2 semaphore(%arg16 : memref<!tpu.dma_semaphore, #tpu.memory_space<semaphore_mem>>) src(%dma_wait3A_184 : memref<8192xf32, #tpu.memory_space<hbm>>) dst(%arg8 : memref<8192xf32, #tpu.memory_space<vmem>>)
      %dma_wait3A_185 = arith.constant 0 : i32
      %dma_wait3A_186 = tpu.memref_slice %arg4[%dma_wait3A_185] : memref<33554432xf32, #tpu.memory_space<hbm>> -> memref<8192xf32, #tpu.memory_space<hbm>>
      %dma_wait3A_187 = arith.constant 0 : i32
      %dma_wait3A_188 = tpu.memref_slice %arg4[%dma_wait3A_187] : memref<33554432xf32, #tpu.memory_space<hbm>> -> memref<8192xf32, #tpu.memory_space<hbm>>
      tpu.wait_dma2 semaphore(%arg20 : memref<!tpu.dma_semaphore, #tpu.memory_space<semaphore_mem>>) src(%arg12 : memref<8192xf32, #tpu.memory_space<vmem>>) dst(%dma_wait3A_188 : memref<8192xf32, #tpu.memory_space<hbm>>)
      %parallel_loop3A_189 = arith.constant 0 : i32
      %parallel_loop3A_190 = arith.constant 128 : i32
      %parallel_loop3A_191 = arith.constant 1 : i32
      scf.for %parallel_loop3A_236 = %parallel_loop3A_189 to %parallel_loop3A_190 step %parallel_loop3A_191  : i32 {
        %parallel_loop3A_237 = arith.constant 16 : i32
        %parallel_loop3A_238 = arith.muli %parallel_loop3A_236, %parallel_loop3A_237 : i32
        %parallel_loop3A_239 = arith.index_cast %parallel_loop3A_238 : i32 to index
        %parallel_loop3A_240 = tpu.vector_load %arg5[%parallel_loop3A_239] {strides = array<i32>} : memref<2048xi32, #tpu.memory_space<vmem>>, vector<16xi32>,
        %parallel_loop3A_241 = arith.constant 0 : i32
        %parallel_loop3A_242 = vector.broadcast %parallel_loop3A_241 : i32 to vector<16xi32>
        %parallel_loop3A_243 = arith.addi %parallel_loop3A_240, %parallel_loop3A_242 : vector<16xi32>
        %parallel_loop3A_244 = tpu.vector_load_idx %arg8[%parallel_loop3A_243] : memref<8192xf32, #tpu.memory_space<vmem>>[vector<16xi32>], vector<16xf32>,
        %parallel_loop3A_245 = arith.constant 16 : i32
        %parallel_loop3A_246 = arith.muli %parallel_loop3A_236, %parallel_loop3A_245 : i32
        %parallel_loop3A_247 = arith.constant 0 : i32
        %parallel_loop3A_248 = arith.addi %parallel_loop3A_247, %parallel_loop3A_246 : i32
        %parallel_loop3A_249 = arith.index_cast %parallel_loop3A_248 : i32 to index
        %parallel_loop3A_250 = tpu.vector_load %arg12[%parallel_loop3A_249] {strides = array<i32>} : memref<8192xf32, #tpu.memory_space<vmem>>, vector<16xf32>,
        tpu.vector_store %arg12[%parallel_loop3A_249], %parallel_loop3A_244 {strides = array<i32>} : memref<8192xf32, #tpu.memory_space<vmem>>, vector<16xf32>,
        %parallel_loop3A_251 = arith.constant 2048 : i32
        %parallel_loop3A_252 = vector.broadcast %parallel_loop3A_251 : i32 to vector<16xi32>
        %parallel_loop3A_253 = arith.addi %parallel_loop3A_240, %parallel_loop3A_252 : vector<16xi32>
        %parallel_loop3A_254 = tpu.vector_load_idx %arg8[%parallel_loop3A_253] : memref<8192xf32, #tpu.memory_space<vmem>>[vector<16xi32>], vector<16xf32>,
        %parallel_loop3A_255 = arith.constant 16 : i32
        %parallel_loop3A_256 = arith.muli %parallel_loop3A_236, %parallel_loop3A_255 : i32
        %parallel_loop3A_257 = arith.constant 2048 : i32
        %parallel_loop3A_258 = arith.addi %parallel_loop3A_257, %parallel_loop3A_256 : i32
        %parallel_loop3A_259 = arith.index_cast %parallel_loop3A_258 : i32 to index
        %parallel_loop3A_260 = tpu.vector_load %arg12[%parallel_loop3A_259] {strides = array<i32>} : memref<8192xf32, #tpu.memory_space<vmem>>, vector<16xf32>,
        tpu.vector_store %arg12[%parallel_loop3A_259], %parallel_loop3A_254 {strides = array<i32>} : memref<8192xf32, #tpu.memory_space<vmem>>, vector<16xf32>,
        %parallel_loop3A_261 = arith.constant 4096 : i32
        %parallel_loop3A_262 = vector.broadcast %parallel_loop3A_261 : i32 to vector<16xi32>
        %parallel_loop3A_263 = arith.addi %parallel_loop3A_240, %parallel_loop3A_262 : vector<16xi32>
        %parallel_loop3A_264 = tpu.vector_load_idx %arg8[%parallel_loop3A_263] : memref<8192xf32, #tpu.memory_space<vmem>>[vector<16xi32>], vector<16xf32>,
        %parallel_loop3A_265 = arith.constant 16 : i32
        %parallel_loop3A_266 = arith.muli %parallel_loop3A_236, %parallel_loop3A_265 : i32
        %parallel_loop3A_267 = arith.constant 4096 : i32
        %parallel_loop3A_268 = arith.addi %parallel_loop3A_267, %parallel_loop3A_266 : i32
        %parallel_loop3A_269 = arith.index_cast %parallel_loop3A_268 : i32 to index
        %parallel_loop3A_270 = tpu.vector_load %arg12[%parallel_loop3A_269] {strides = array<i32>} : memref<8192xf32, #tpu.memory_space<vmem>>, vector<16xf32>,
        tpu.vector_store %arg12[%parallel_loop3A_269], %parallel_loop3A_264 {strides = array<i32>} : memref<8192xf32, #tpu.memory_space<vmem>>, vector<16xf32>,
        %parallel_loop3A_271 = arith.constant 6144 : i32
        %parallel_loop3A_272 = vector.broadcast %parallel_loop3A_271 : i32 to vector<16xi32>
        %parallel_loop3A_273 = arith.addi %parallel_loop3A_240, %parallel_loop3A_272 : vector<16xi32>
        %parallel_loop3A_274 = tpu.vector_load_idx %arg8[%parallel_loop3A_273] : memref<8192xf32, #tpu.memory_space<vmem>>[vector<16xi32>], vector<16xf32>,
        %parallel_loop3A_275 = arith.constant 16 : i32
        %parallel_loop3A_276 = arith.muli %parallel_loop3A_236, %parallel_loop3A_275 : i32
        %parallel_loop3A_277 = arith.constant 6144 : i32
        %parallel_loop3A_278 = arith.addi %parallel_loop3A_277, %parallel_loop3A_276 : i32
        %parallel_loop3A_279 = arith.index_cast %parallel_loop3A_278 : i32 to index
        %parallel_loop3A_280 = tpu.vector_load %arg12[%parallel_loop3A_279] {strides = array<i32>} : memref<8192xf32, #tpu.memory_space<vmem>>, vector<16xf32>,
        tpu.vector_store %arg12[%parallel_loop3A_279], %parallel_loop3A_274 {strides = array<i32>} : memref<8192xf32, #tpu.memory_space<vmem>>, vector<16xf32>,
      } {sc.loop_unroll_factor = 4 : i64, sc.parallel_access}
      %mul3A_192 = arith.constant 32 : i32
      %mul3A_193 = arith.muli %add3A_180, %mul3A_192 : i32
      %add3A_194 = arith.addi %mul3A_193, %add3A : i32
      %mul3A_195 = arith.constant 8192 : i32
      %mul3A_196 = arith.muli %add3A_194, %mul3A_195 : i32
      %dma_start3A_197 = tpu.memref_slice %arg4[%mul3A_196] : memref<33554432xf32, #tpu.memory_space<hbm>> -> memref<8192xf32, #tpu.memory_space<hbm>>
      %dma_start3A_198 = tpu.memref_slice %arg4[%mul3A_196] : memref<33554432xf32, #tpu.memory_space<hbm>> -> memref<8192xf32, #tpu.memory_space<hbm>>
      tpu.enqueue_dma source(%arg12 : memref<8192xf32, #tpu.memory_space<vmem>>) target(%dma_start3A_198 : memref<8192xf32, #tpu.memory_space<hbm>>) target_semaphore(%arg20 : memref<!tpu.dma_semaphore, #tpu.memory_space<semaphore_mem>>)
      %add3A_199 = arith.constant 4 : i32
      %add3A_200 = arith.addi %add3A_180, %add3A_199 : i32
      %lt3A_201 = arith.constant 128 : i32
      %lt3A_202 = arith.cmpi slt, %add3A_200, %lt3A_201 : i32
      %convert_element_type3A_203 = arith.extui %lt3A_202 : i1 to i32
      %cond3A_204 = arith.constant 0 : i32
      %cond3A_205 = arith.cmpi ne, %convert_element_type3A_203, %cond3A_204 : i32
      scf.if %cond3A_205 {
        %add3A_236 = arith.constant 4 : i32
        %add3A_237 = arith.addi %add3A_180, %add3A_236 : i32
        %mul3A_238 = arith.constant 32 : i32
        %mul3A_239 = arith.muli %add3A_237, %mul3A_238 : i32
        %add3A_240 = arith.addi %mul3A_239, %add3A : i32
        %mul3A_241 = arith.constant 8192 : i32
        %mul3A_242 = arith.muli %add3A_240, %mul3A_241 : i32
        %dma_start3A_243 = tpu.memref_slice %arg2[%mul3A_242] : memref<33554432xf32, #tpu.memory_space<hbm>> -> memref<8192xf32, #tpu.memory_space<hbm>>
        %dma_start3A_244 = tpu.memref_slice %arg2[%mul3A_242] : memref<33554432xf32, #tpu.memory_space<hbm>> -> memref<8192xf32, #tpu.memory_space<hbm>>
        tpu.enqueue_dma source(%dma_start3A_244 : memref<8192xf32, #tpu.memory_space<hbm>>) target(%arg8 : memref<8192xf32, #tpu.memory_space<vmem>>) target_semaphore(%arg16 : memref<!tpu.dma_semaphore, #tpu.memory_space<semaphore_mem>>)
      } else {
      }
      %mul3A_206 = arith.constant 4 : i32
      %mul3A_207 = arith.muli %scan3A_120, %mul3A_206 : i32
      %add3A_208 = arith.constant 3 : i32
      %add3A_209 = arith.addi %mul3A_207, %add3A_208 : i32
      %dma_wait3A_210 = arith.constant 0 : i32
      %dma_wait3A_211 = tpu.memref_slice %arg2[%dma_wait3A_210] : memref<33554432xf32, #tpu.memory_space<hbm>> -> memref<8192xf32, #tpu.memory_space<hbm>>
      %dma_wait3A_212 = arith.constant 0 : i32
      %dma_wait3A_213 = tpu.memref_slice %arg2[%dma_wait3A_212] : memref<33554432xf32, #tpu.memory_space<hbm>> -> memref<8192xf32, #tpu.memory_space<hbm>>
      tpu.wait_dma2 semaphore(%arg17 : memref<!tpu.dma_semaphore, #tpu.memory_space<semaphore_mem>>) src(%dma_wait3A_213 : memref<8192xf32, #tpu.memory_space<hbm>>) dst(%arg9 : memref<8192xf32, #tpu.memory_space<vmem>>)
      %dma_wait3A_214 = arith.constant 0 : i32
      %dma_wait3A_215 = tpu.memref_slice %arg4[%dma_wait3A_214] : memref<33554432xf32, #tpu.memory_space<hbm>> -> memref<8192xf32, #tpu.memory_space<hbm>>
      %dma_wait3A_216 = arith.constant 0 : i32
      %dma_wait3A_217 = tpu.memref_slice %arg4[%dma_wait3A_216] : memref<33554432xf32, #tpu.memory_space<hbm>> -> memref<8192xf32, #tpu.memory_space<hbm>>
      tpu.wait_dma2 semaphore(%arg21 : memref<!tpu.dma_semaphore, #tpu.memory_space<semaphore_mem>>) src(%arg13 : memref<8192xf32, #tpu.memory_space<vmem>>) dst(%dma_wait3A_217 : memref<8192xf32, #tpu.memory_space<hbm>>)
      %parallel_loop3A_218 = arith.constant 0 : i32
      %parallel_loop3A_219 = arith.constant 128 : i32
      %parallel_loop3A_220 = arith.constant 1 : i32
      scf.for %parallel_loop3A_236 = %parallel_loop3A_218 to %parallel_loop3A_219 step %parallel_loop3A_220  : i32 {
        %parallel_loop3A_237 = arith.constant 16 : i32
        %parallel_loop3A_238 = arith.muli %parallel_loop3A_236, %parallel_loop3A_237 : i32
        %parallel_loop3A_239 = arith.index_cast %parallel_loop3A_238 : i32 to index
        %parallel_loop3A_240 = tpu.vector_load %arg5[%parallel_loop3A_239] {strides = array<i32>} : memref<2048xi32, #tpu.memory_space<vmem>>, vector<16xi32>,
        %parallel_loop3A_241 = arith.constant 0 : i32
        %parallel_loop3A_242 = vector.broadcast %parallel_loop3A_241 : i32 to vector<16xi32>
        %parallel_loop3A_243 = arith.addi %parallel_loop3A_240, %parallel_loop3A_242 : vector<16xi32>
        %parallel_loop3A_244 = tpu.vector_load_idx %arg9[%parallel_loop3A_243] : memref<8192xf32, #tpu.memory_space<vmem>>[vector<16xi32>], vector<16xf32>,
        %parallel_loop3A_245 = arith.constant 16 : i32
        %parallel_loop3A_246 = arith.muli %parallel_loop3A_236, %parallel_loop3A_245 : i32
        %parallel_loop3A_247 = arith.constant 0 : i32
        %parallel_loop3A_248 = arith.addi %parallel_loop3A_247, %parallel_loop3A_246 : i32
        %parallel_loop3A_249 = arith.index_cast %parallel_loop3A_248 : i32 to index
        %parallel_loop3A_250 = tpu.vector_load %arg13[%parallel_loop3A_249] {strides = array<i32>} : memref<8192xf32, #tpu.memory_space<vmem>>, vector<16xf32>,
        tpu.vector_store %arg13[%parallel_loop3A_249], %parallel_loop3A_244 {strides = array<i32>} : memref<8192xf32, #tpu.memory_space<vmem>>, vector<16xf32>,
        %parallel_loop3A_251 = arith.constant 2048 : i32
        %parallel_loop3A_252 = vector.broadcast %parallel_loop3A_251 : i32 to vector<16xi32>
        %parallel_loop3A_253 = arith.addi %parallel_loop3A_240, %parallel_loop3A_252 : vector<16xi32>
        %parallel_loop3A_254 = tpu.vector_load_idx %arg9[%parallel_loop3A_253] : memref<8192xf32, #tpu.memory_space<vmem>>[vector<16xi32>], vector<16xf32>,
        %parallel_loop3A_255 = arith.constant 16 : i32
        %parallel_loop3A_256 = arith.muli %parallel_loop3A_236, %parallel_loop3A_255 : i32
        %parallel_loop3A_257 = arith.constant 2048 : i32
        %parallel_loop3A_258 = arith.addi %parallel_loop3A_257, %parallel_loop3A_256 : i32
        %parallel_loop3A_259 = arith.index_cast %parallel_loop3A_258 : i32 to index
        %parallel_loop3A_260 = tpu.vector_load %arg13[%parallel_loop3A_259] {strides = array<i32>} : memref<8192xf32, #tpu.memory_space<vmem>>, vector<16xf32>,
        tpu.vector_store %arg13[%parallel_loop3A_259], %parallel_loop3A_254 {strides = array<i32>} : memref<8192xf32, #tpu.memory_space<vmem>>, vector<16xf32>,
        %parallel_loop3A_261 = arith.constant 4096 : i32
        %parallel_loop3A_262 = vector.broadcast %parallel_loop3A_261 : i32 to vector<16xi32>
        %parallel_loop3A_263 = arith.addi %parallel_loop3A_240, %parallel_loop3A_262 : vector<16xi32>
        %parallel_loop3A_264 = tpu.vector_load_idx %arg9[%parallel_loop3A_263] : memref<8192xf32, #tpu.memory_space<vmem>>[vector<16xi32>], vector<16xf32>,
        %parallel_loop3A_265 = arith.constant 16 : i32
        %parallel_loop3A_266 = arith.muli %parallel_loop3A_236, %parallel_loop3A_265 : i32
        %parallel_loop3A_267 = arith.constant 4096 : i32
        %parallel_loop3A_268 = arith.addi %parallel_loop3A_267, %parallel_loop3A_266 : i32
        %parallel_loop3A_269 = arith.index_cast %parallel_loop3A_268 : i32 to index
        %parallel_loop3A_270 = tpu.vector_load %arg13[%parallel_loop3A_269] {strides = array<i32>} : memref<8192xf32, #tpu.memory_space<vmem>>, vector<16xf32>,
        tpu.vector_store %arg13[%parallel_loop3A_269], %parallel_loop3A_264 {strides = array<i32>} : memref<8192xf32, #tpu.memory_space<vmem>>, vector<16xf32>,
        %parallel_loop3A_271 = arith.constant 6144 : i32
        %parallel_loop3A_272 = vector.broadcast %parallel_loop3A_271 : i32 to vector<16xi32>
        %parallel_loop3A_273 = arith.addi %parallel_loop3A_240, %parallel_loop3A_272 : vector<16xi32>
        %parallel_loop3A_274 = tpu.vector_load_idx %arg9[%parallel_loop3A_273] : memref<8192xf32, #tpu.memory_space<vmem>>[vector<16xi32>], vector<16xf32>,
        %parallel_loop3A_275 = arith.constant 16 : i32
        %parallel_loop3A_276 = arith.muli %parallel_loop3A_236, %parallel_loop3A_275 : i32
        %parallel_loop3A_277 = arith.constant 6144 : i32
        %parallel_loop3A_278 = arith.addi %parallel_loop3A_277, %parallel_loop3A_276 : i32
        %parallel_loop3A_279 = arith.index_cast %parallel_loop3A_278 : i32 to index
        %parallel_loop3A_280 = tpu.vector_load %arg13[%parallel_loop3A_279] {strides = array<i32>} : memref<8192xf32, #tpu.memory_space<vmem>>, vector<16xf32>,
        tpu.vector_store %arg13[%parallel_loop3A_279], %parallel_loop3A_274 {strides = array<i32>} : memref<8192xf32, #tpu.memory_space<vmem>>, vector<16xf32>,
      } {sc.loop_unroll_factor = 4 : i64, sc.parallel_access}
      %mul3A_221 = arith.constant 32 : i32
      %mul3A_222 = arith.muli %add3A_209, %mul3A_221 : i32
      %add3A_223 = arith.addi %mul3A_222, %add3A : i32
      %mul3A_224 = arith.constant 8192 : i32
      %mul3A_225 = arith.muli %add3A_223, %mul3A_224 : i32
      %dma_start3A_226 = tpu.memref_slice %arg4[%mul3A_225] : memref<33554432xf32, #tpu.memory_space<hbm>> -> memref<8192xf32, #tpu.memory_space<hbm>>
      %dma_start3A_227 = tpu.memref_slice %arg4[%mul3A_225] : memref<33554432xf32, #tpu.memory_space<hbm>> -> memref<8192xf32, #tpu.memory_space<hbm>>
      tpu.enqueue_dma source(%arg13 : memref<8192xf32, #tpu.memory_space<vmem>>) target(%dma_start3A_227 : memref<8192xf32, #tpu.memory_space<hbm>>) target_semaphore(%arg21 : memref<!tpu.dma_semaphore, #tpu.memory_space<semaphore_mem>>)
      %add3A_228 = arith.constant 4 : i32
      %add3A_229 = arith.addi %add3A_209, %add3A_228 : i32
      %lt3A_230 = arith.constant 128 : i32
      %lt3A_231 = arith.cmpi slt, %add3A_229, %lt3A_230 : i32
      %convert_element_type3A_232 = arith.extui %lt3A_231 : i1 to i32
      %cond3A_233 = arith.constant 0 : i32
      %cond3A_234 = arith.cmpi ne, %convert_element_type3A_232, %cond3A_233 : i32
      scf.if %cond3A_234 {
        %add3A_236 = arith.constant 4 : i32
        %add3A_237 = arith.addi %add3A_209, %add3A_236 : i32
        %mul3A_238 = arith.constant 32 : i32
        %mul3A_239 = arith.muli %add3A_237, %mul3A_238 : i32
        %add3A_240 = arith.addi %mul3A_239, %add3A : i32
        %mul3A_241 = arith.constant 8192 : i32
        %mul3A_242 = arith.muli %add3A_240, %mul3A_241 : i32
        %dma_start3A_243 = tpu.memref_slice %arg2[%mul3A_242] : memref<33554432xf32, #tpu.memory_space<hbm>> -> memref<8192xf32, #tpu.memory_space<hbm>>
        %dma_start3A_244 = tpu.memref_slice %arg2[%mul3A_242] : memref<33554432xf32, #tpu.memory_space<hbm>> -> memref<8192xf32, #tpu.memory_space<hbm>>
        tpu.enqueue_dma source(%dma_start3A_244 : memref<8192xf32, #tpu.memory_space<hbm>>) target(%arg9 : memref<8192xf32, #tpu.memory_space<vmem>>) target_semaphore(%arg17 : memref<!tpu.dma_semaphore, #tpu.memory_space<semaphore_mem>>)
      } else {
      }
      %scan3A_235 = arith.constant 0 : i32
      scf.yield %scan3A_235 : i32
    }
    %scan3A_103 = arith.constant 31 : i32
    %dma_wait3A_104 = arith.constant 0 : i32
    %dma_wait3A_105 = tpu.memref_slice %arg4[%dma_wait3A_104] : memref<33554432xf32, #tpu.memory_space<hbm>> -> memref<8192xf32, #tpu.memory_space<hbm>>
    %dma_wait3A_106 = arith.constant 0 : i32
    %dma_wait3A_107 = tpu.memref_slice %arg4[%dma_wait3A_106] : memref<33554432xf32, #tpu.memory_space<hbm>> -> memref<8192xf32, #tpu.memory_space<hbm>>
    tpu.wait_dma2 semaphore(%arg18 : memref<!tpu.dma_semaphore, #tpu.memory_space<semaphore_mem>>) src(%arg10 : memref<8192xf32, #tpu.memory_space<vmem>>) dst(%dma_wait3A_107 : memref<8192xf32, #tpu.memory_space<hbm>>)
    %dma_wait3A_108 = arith.constant 0 : i32
    %dma_wait3A_109 = tpu.memref_slice %arg4[%dma_wait3A_108] : memref<33554432xf32, #tpu.memory_space<hbm>> -> memref<8192xf32, #tpu.memory_space<hbm>>
    %dma_wait3A_110 = arith.constant 0 : i32
    %dma_wait3A_111 = tpu.memref_slice %arg4[%dma_wait3A_110] : memref<33554432xf32, #tpu.memory_space<hbm>> -> memref<8192xf32, #tpu.memory_space<hbm>>
    tpu.wait_dma2 semaphore(%arg19 : memref<!tpu.dma_semaphore, #tpu.memory_space<semaphore_mem>>) src(%arg11 : memref<8192xf32, #tpu.memory_space<vmem>>) dst(%dma_wait3A_111 : memref<8192xf32, #tpu.memory_space<hbm>>)
    %dma_wait3A_112 = arith.constant 0 : i32
    %dma_wait3A_113 = tpu.memref_slice %arg4[%dma_wait3A_112] : memref<33554432xf32, #tpu.memory_space<hbm>> -> memref<8192xf32, #tpu.memory_space<hbm>>
    %dma_wait3A_114 = arith.constant 0 : i32
    %dma_wait3A_115 = tpu.memref_slice %arg4[%dma_wait3A_114] : memref<33554432xf32, #tpu.memory_space<hbm>> -> memref<8192xf32, #tpu.memory_space<hbm>>
    tpu.wait_dma2 semaphore(%arg20 : memref<!tpu.dma_semaphore, #tpu.memory_space<semaphore_mem>>) src(%arg12 : memref<8192xf32, #tpu.memory_space<vmem>>) dst(%dma_wait3A_115 : memref<8192xf32, #tpu.memory_space<hbm>>)
    %dma_wait3A_116 = arith.constant 0 : i32
    %dma_wait3A_117 = tpu.memref_slice %arg4[%dma_wait3A_116] : memref<33554432xf32, #tpu.memory_space<hbm>> -> memref<8192xf32, #tpu.memory_space<hbm>>
    %dma_wait3A_118 = arith.constant 0 : i32
    %dma_wait3A_119 = tpu.memref_slice %arg4[%dma_wait3A_118] : memref<33554432xf32, #tpu.memory_space<hbm>> -> memref<8192xf32, #tpu.memory_space<hbm>>
    tpu.wait_dma2 semaphore(%arg21 : memref<!tpu.dma_semaphore, #tpu.memory_space<semaphore_mem>>) src(%arg13 : memref<8192xf32, #tpu.memory_space<vmem>>) dst(%dma_wait3A_119 : memref<8192xf32, #tpu.memory_space<hbm>>)
    return
  }
}

</mosaic_0001>

<sc_bundles>
// kernel: _permute.3.cloned.1.call-start
scs
__scs_entry_jumppad:
0x0: {  	(pc) =	sbr.rel $0x88, $3  }
0x1: {  	(tag) =	ssettag $0x0;
	lr =	simm.s32 $0x1  }
0x2: {  	[smem:$0x3F9F] =	sst lr;
	_ =	strace $0xD0000000  }
0x3: {  	_ = 	snop  }
0x4: {  	_ = 	snop  }
0x5: {  	_ = 	snop  }
0x6: {  	_ = 	snop  }
0x7: {  	_ = 	snop  }
__scs_overlays_trampoline_lowered:
0x8: {  	[smem:$0x3FAE] =	sst s0  }
0x9: {  	[smem:$0x3FAF] =	sst s1  }
0xa: {  	[smem:$0x3FB0] =	sst s2  }
0xb: {  	[smem:$0x3FB1] =	sst s3  }
0xc: {  	[smem:$0x3FB2] =	sst s4  }
0xd: {  	[smem:$0x3FB3] =	sst s5  }
0xe: {  	[smem:$0x3FB4] =	sst s6  }
0xf: {  	[smem:$0x3FB5] =	sst s7  }
0x10: {  	[smem:$0x3FB6] =	sst s8  }
0x11: {  	[smem:$0x3FB7] =	sst s9;
	s0 =	simm.s32 @!p0 $0x0  }
0x12: {  	s1 =	sld [smem:$0x3F9D];
	s0 =	simm.s32 @p0 $0x1  }
0x13: {  	[smem:$0x3FB8] =	sst s0;
	s0 =	simm.s32 @!p1 $0x0  }
0x14: {  	s2 =	sld [smem:$0x3F9C];
	s0 =	simm.s32 @p1 $0x1  }
0x15: {  	[smem:$0x3FB9] =	sst s0;
	s0 =	simm.s32 @!p2 $0x0  }
0x16: {  	s3 =	sld [smem:$0x3FDB];
	s0 =	simm.s32 @p2 $0x1  }
0x17: {  	s4 =	simm.s32 $0x1BF5;
	[smem:$0x3FBB] =	sst s0  }
0x18: {  	s0 =	sld [smem:$0x3F9E];
	_ =	swait.ge [sflag:s4], $0x0  }
0x19: {  	s7 =	sld [smem:$0x3F9F]  }
0x1a: {  	s8 =	sadd.s32 $0xFFFFE003, lr  }
0x1b: {  	s9 =	sadd.s32 $0xFFFFFEF7, lr;
	s5 =	simm.s32 $0xFFFFFFFF;
	p2 =	slt.u32 s8, $0xFFFFF086  }
0x1c: {  	p1 =	slt.u32 s9, $0xF7A;
	s5 =	simm.s32 @!p2 $0x0  }
0x1d: {  	s5 =	simm.s32 @p1 $0x1;
	p0 =	seq.s32 s7, s2  }
0x1e: {  	s7 =	smul.u32 @!p0 $0xF7A, s2;
	p2 =	seq.s32 @!p0 s5, $0x0  }
0x1f: {  	s9 =	smul.u32 $0xF7A, s1;
	s8 =	simm.s32 @!p0 $0x1BF5;
	p2 =	por !p2, p0  }
0x20: {  	[sflag:s8] =	ssyncset.s32 @!p0 $0xFFFFF086;
	s6 =	sadd.s32 @!p0 s3, s7;
	s7 =	simm.s32 @!p0 $0x108  }
0x21: {  	s3 =	sadd.s32 s3, s9;
	s6 =	sadd.s32 @!p0 $0x88, s6;
	s7 =	simm.s32 @p2 $0x1082  }
0x22: {  	[simem:s7], [sflag:s8] =	dma.local @!p0 [hbm:s6], $0xF7A  }
0x23: {  	s9 =	sor.u32 $0xD0000000, s2;
	s6 =	simm.s32 $0x108;
	_ =	swait.ge @!p0 [sflag:s8], $0x0  }
0x24: {  	s3 =	sadd.s32 $0x88, s3;
	s6 =	simm.s32 @!p1 $0x1082;
	[sflag:s4] =	ssyncset.s32 $0xFFFFF086  }
0x25: {  	[simem:s6], [sflag:s4] =	dma.local [hbm:s3], $0xF7A  }
0x26: {  	[smem:$0x3F9F] =	sst s1;
	(tag) =	ssettag s2;
	_ =	strace s9  }
0x27: {  	s1 =	sld [smem:$0x3FAF]  }
0x28: {  	s2 =	sld [smem:$0x3FB0]  }
0x29: {  	s4 =	sld [smem:$0x3FB2]  }
0x2a: {  	p0 =	seq.s32 s5, $0x0;
	s5 =	sld [smem:$0x3FB3]  }
0x2b: {  	s6 =	sld [smem:$0x3FB4]  }
0x2c: {  	s7 =	sld [smem:$0x3FB5]  }
0x2d: {  	s3 =	simm.s32 $0x108;
	s8 =	sld [smem:$0x3FB6]  }
0x2e: {  	s3 =	simm.s32 @!p0 $0x1082;
	s9 =	sld [smem:$0x3FB7]  }
0x2f: {  	lr =	sadd.s32 s0, s3;
	s0 =	sld [smem:$0x3FAE]  }
0x30: {  	s3 =	sld [smem:$0x3FB1]  }
0x31: {  	[smem:$0x3FBA] =	sst s10  }
0x32: {  	s10 =	sld [smem:$0x3FB8];
	_ =	sdelay $0x3  }
0x33: {  	p0 =	seq.s32 s10, $0x1;
	s10 =	sld [smem:$0x3FBA];
	_ =	sdelay $0x3  }
0x34: {  	[smem:$0x3FBA] =	sst s10  }
0x35: {  	s10 =	sld [smem:$0x3FB9];
	_ =	sdelay $0x3  }
0x36: {  	p1 =	seq.s32 s10, $0x1;
	s10 =	sld [smem:$0x3FBA];
	_ =	sdelay $0x3  }
0x37: {  	[smem:$0x3FBA] =	sst s10  }
0x38: {  	s10 =	sld [smem:$0x3FBB]  }
0x39: {  	_ = 	snop;
	(pc) =	sbr.ind lr, $3  }
0x3a: {  	_ = 	snop  }
0x3b: {  	_ = 	snop  }
0x3c: {  	p2 =	seq.s32 s10, $0x1;
	s10 =	sld [smem:$0x3FBA]  }
0x3d: {  	_ =	shalt  }
0x3e: {  	_ =	shalt  }
0x3f: {  	_ =	shalt  }
0x40: {  	_ =	shalt  }
0x41: {  	_ =	shalt  }
0x42: {  	_ =	shalt  }
0x43: {  	_ =	shalt  }
0x44: {  	_ =	shalt  }
0x45: {  	_ =	shalt  }
0x46: {  	_ =	shalt  }
0x47: {  	_ =	shalt  }
0x48: {  	_ =	shalt  }
0x49: {  	_ =	shalt  }
0x4a: {  	_ =	shalt  }
0x4b: {  	_ =	shalt  }
0x4c: {  	_ =	shalt  }
0x4d: {  	_ =	shalt  }
0x4e: {  	_ =	shalt  }
0x4f: {  	_ =	shalt  }
0x50: {  	_ =	shalt  }
0x51: {  	_ =	shalt  }
0x52: {  	_ =	shalt  }
0x53: {  	_ =	shalt  }
0x54: {  	_ =	shalt  }
0x55: {  	_ =	shalt  }
0x56: {  	_ =	shalt  }
0x57: {  	_ =	shalt  }
0x58: {  	_ =	shalt  }
0x59: {  	_ =	shalt  }
0x5a: {  	_ =	shalt  }
0x5b: {  	_ =	shalt  }
0x5c: {  	_ =	shalt  }
0x5d: {  	_ =	shalt  }
0x5e: {  	_ =	shalt  }
0x5f: {  	_ =	shalt  }
0x60: {  	_ =	shalt  }
0x61: {  	_ =	shalt  }
0x62: {  	_ =	shalt  }
0x63: {  	_ =	shalt  }
0x64: {  	_ =	shalt  }
0x65: {  	_ =	shalt  }
0x66: {  	_ =	shalt  }
0x67: {  	_ =	shalt  }
0x68: {  	_ =	shalt  }
0x69: {  	_ =	shalt  }
0x6a: {  	_ =	shalt  }
0x6b: {  	_ =	shalt  }
0x6c: {  	_ =	shalt  }
0x6d: {  	_ =	shalt  }
0x6e: {  	_ =	shalt  }
0x6f: {  	_ =	shalt  }
0x70: {  	_ =	shalt  }
0x71: {  	_ =	shalt  }
0x72: {  	_ =	shalt  }
0x73: {  	_ =	shalt  }
0x74: {  	_ =	shalt  }
0x75: {  	_ =	shalt  }
0x76: {  	_ =	shalt  }
0x77: {  	_ =	shalt  }
0x78: {  	_ =	shalt  }
0x79: {  	_ =	shalt  }
0x7a: {  	_ =	shalt  }
0x7b: {  	_ =	shalt  }
0x7c: {  	_ =	shalt  }
0x7d: {  	_ =	shalt  }
0x7e: {  	_ =	shalt  }
0x7f: {  	_ =	shalt  }
0x80: {  	_ =	shalt  }
0x81: {  	_ =	shalt  }
0x82: {  	_ =	shalt  }
0x83: {  	_ =	shalt  }
0x84: {  	_ =	shalt  }
0x85: {  	_ =	shalt  }
0x86: {  	_ =	shalt  }
0x87: {  	_ =	shalt  }
.Lfunc_end0:
.L_simem_size_0:
called_computation_lowered:
.L_overlay_start_0:
0x88: {  	s2 =	sld [smem:$0x3FD9]  }
0x89: {  	s3 =	sld [smem:$0x3FFE];
	_ =	sdelay $0x1  }
0x8a: {  	s1 =	srdreg.scid  }
0x8b: {  	s0 =	sand.u32 $0x1, s1  }
0x8c: {  	s18 =	sshll.u32 s0, $0xA;
	s2 =	sadd.s32 s3, s2  }
0x8d: {  	s2 =	sadd.s32 s2, s18  }
0x8e: {  	[smem:$0x3FC6] =	sst s2  }
0x8f: {  	_ = 	snop  }
0x90: {  	s2 =	sld [smem:$0x3FC9]  }
0x91: {  	s19 =	sld [smem:$0x3FC8]  }
0x92: {  	s4 =	sld [smem:$0x3FD0];
	(tm) =	ssettm $0x1  }
0x93: {  	s5 =	sld [smem:$0x3FFB];
	_ =	sdelay $0x3  }
0x94: {  	_ =	strace s5  }
0x95: {  	s5 =	sld [smem:$0x3FFC];
	_ =	sdelay $0x3  }
0x96: {  	_ =	strace s5  }
0x97: {  	s5 =	sld [smem:$0x3FFD];
	_ =	sdelay $0x3  }
0x98: {  	_ =	strace s5  }
0x99: {  	_ =	strace $0x8FFFFFFF  }
0x9a: {  	s20 =	sld [smem:$0x3FDB];
	_ =	sdelay $0x1  }
0x9b: {  	s6 =	simm.s32 $_scs_section_size  }
0x9c: {  	s7 =	simm.s32 $_size__tile_overlayer_lowered;
	s8 =	simm.s32 $_tile_overlayer_lowered  }
0x9d: {  	s23 =	simm.s32 $0x1BFF;
	s22 =	sshll.u32 s8, $0x1;
	s5 =	sadd.s32 s6, s20  }
0x9e: {  	s9 =	simm.s32 $0x0;
	s21 =	sshll.u32 s7, $0x1;
	s7 =	sadd.s32 s22, s5  }
0x9f: {  	[timem:s9], [sflag:s23] =	dma.local [hbm:s7], s21  }
0xa0: {  	_ =	swait.ge [sflag:s23], s21  }
0xa1: {  	s6 =	ssub.s32 $0x0, s21;
	[sflag:s23] =	ssyncset.done $0x0  }
0xa2: {  	[sflag:s23] =	ssyncadd.s32 s6;
	_ =	sdelay $0x1  }
0xa3: {  	s24 =	simm.s32 $0x1B8B  }
0xa4: {  	_ =	swait.ge [sflag:s24], $0x1  }
0xa5: {  	[sflag:s24] =	ssyncset.done $0x0  }
0xa6: {  	s25 =	simm.s32 $0x1B8E;
	[sflag:s24] =	ssyncadd.s32 $0xFFFFFFFF  }
0xa7: {  	s26 =	simm.s32 $execute0_lowered;
	[smem:$0x3FD2] =	sst s25  }
0xa8: {  	s6 =	sshll.u32 s26, $0x1;
	_ =	strace $0x80000046;
	[dreg:$0x1] =	wrdreg $0xFFFFFFFF  }
0xa9: {  	s28 =	simm.s32 $_size_execute0_lowered;
	s5 =	sadd.s32 s5, s6;
	[dreg:$0x0] =	wrdreg $0x0  }
0xaa: {  	s6 =	sshll.u32 s28, $0x1;
	[dreg:$0x2] =	wrdreg s5  }
0xab: {  	[dreg:$0x3] =	wrdreg s6  }
0xac: {  	[dreg:$0x4] =	wrdreg $0xC0  }
0xad: {  	_ =	task [dreg:s9], $0x5FFFF  }
0xae: {  	[dreg:$0x1] =	wrdreg $0xFFFFFFFF  }
0xaf: {  	[dreg:$0x0] =	wrdreg $0x60  }
0xb0: {  	[dreg:$0x2] =	wrdreg s2  }
0xb1: {  	[dreg:$0x3] =	wrdreg s19  }
0xb2: {  	[dreg:$0x4] =	wrdreg s4  }
0xb3: {  	[dreg:$0x5] =	wrdreg $0x9  }
0xb4: {  	_ =	task.clear_ibuf [dreg:s9], $0x6FFFF;
	_ =	strace $0x90000046  }
0xb5: {  	s29 =	simm.s32 $0x9;
	_ =	strace $0x80000048  }
0xb6: {  	_ =	swait.ge [sflag:s29], $0x1  }
0xb7: {  	[sflag:s29] =	ssyncadd.s32 $0xFFFFFFFF  }
0xb8: {  	_ =	strace $0x90000048  }
0xb9: {  	_ =	sfence  }
0xba: {  	s30 =	sld [smem:$0x0];
	_ =	sdelay $0x2  }
0xbb: {  	s31 =	sshll.u32 s1, $0xD;
	s1 =	sshrl.u32 s1, $0x2  }
0xbc: {  	s3 =	sand.u32 $0x4000, s31;
	s1 =	sadd.s32 s1, s30  }
0xbd: {  	s0 =	sor.u32 s3, s0;
	s1 =	sshll.u32 s1, $0x11  }
0xbe: {  	s0 =	sor.u32 s1, s0  }
0xbf: {  	s0 =	sadd.s32 $0x8F2B, s0  }
0xc0: {  	[sflag:s0] =	ssyncadd.remote.s32 $0x1  }
0xc1: {  	_ =	sfence.sel $0xFFFF  }
0xc2: {  	[dreg:$0x0] =	wrdreg $0xFFFFFFFF;
	(pc) =	sbr.abs _section_cstart, $3  }
0xc3: {  	[dreg:$0x1] =	wrdreg $0xFFFFFFFF  }
0xc4: {  	_ =	task.clear_ibuf [dreg:s9], $0x2FFFF;
	_ =	strace $0x9FFFFFFF  }
0xc5: {  	(tm) =	ssettm $0x7FFFFFFF  }
tec
execute0_lowered:
.L_overlay_start_1:
0x0: {  	(tag) =	ssettag $0x1  }
0x1: {  	s0 =	rddreg [dreg:$0x0]  }
0x2: {  	s7 =	rddreg [dreg:$0x2];
	s1 =	srdreg.scid  }
0x3: {  	s4 =	simm.s32 $0x0;
	s3 =	stileid.u32;
	s28 =	simm.s32 $0x1  }
0x4: {  	s30 =	simm.s32 $0x2;
	s10 =	simm.s32 $0x7;
	s12 =	simm.s32 $0x8  }
0x5: {  	s1 =	sand.u32 $0x1, s1;
	s3 =	sshll.u32 s3, $0xB;
	[smem:$0x7FF] =	sst s4  }
0x6: {  	s18 =	sadd.s32 $0x8000, s7;
	s19 =	sadd.s32 $0x10000, s7;
	s20 =	sadd.s32 $0x18000, s7  }
0x7: {  	s2 =	ssub.s32 $0x2, s1;
	s1 =	sshll.u32 s1, $0xA;
	_ =	strace $0x80000047  }
0x8: {  	s6 =	sshrl.u32 s2, $0x1;
	s5 =	sor.u32 s1, s3;
	s1 =	simm.s32 $0x4  }
0x9: {  	s16 =	ssub.s32 s2, s6;
	s8 =	sadd.s32 s0, s5;
	s21 =	sor.u32 $0x8000, s5  }
0xa: {  	s3 =	sor.u32 $0x10000, s5;
	s22 =	sor.u32 $0x18000, s5;
	s24 =	sadd.s32 s7, s5  }
0xb: {  	s9 =	sadd.s32 s0, s21;
	s23 =	sadd.s32 s0, s3;
	[dreg:$0x8] =	wrdreg s24  }
0xc: {  	s0 =	sadd.s32 s0, s22;
	s11 =	sadd.s32 $0x20000, s8;
	[dreg:$0x4] =	wrdreg s8  }
0xd: {  	s25 =	sadd.s32 s7, s21;
	s13 =	sadd.s32 $0x28000, s8;
	[dreg:$0x5] =	wrdreg s9  }
0xe: {  	s26 =	sadd.s32 s7, s3;
	s15 =	sadd.s32 $0x30000, s8;
	[dreg:$0x6] =	wrdreg s23  }
0xf: {  	s29 =	sadd.s32 s7, s22;
	s17 =	sadd.s32 $0x38000, s8;
	[dreg:$0x7] =	wrdreg s0  }
.Ltmp0:
0x10: {  	s31 =	smax.u32 s16, $0x1;
	[dreg:$0x9] =	wrdreg s25;
	(pc) =	sbr.rel .LBB2_1-.Ltmp0, $4  }
0x11: {  	s24 =	simm.s32 $0x2800;
	s7 =	simm.s32 $0xE800;
	[dreg:$0xa] =	wrdreg s26  }
0x12: {  	s8 =	simm.s32 $0x5;
	s3 =	simm.s32 $0x0;
	[dreg:$0xb] =	wrdreg s29  }
0x13: {  	[dreg:$0xc] =	wrdreg s31;
	s23 =	simm.s32 $0x800;
	s25 =	simm.s32 $0x4800  }
0x14: {  	s26 =	simm.s32 $0x6800;
	s0 =	simm.s32 $0x3;
	s9 =	simm.s32 $0x6  }
.LBB2_20:
0x15: {  	_ =	swait.ge [sflag:s8], $0x2000  }
0x16: {  	[sflag:s8] =	ssyncset.done $0x0  }
0x17: {  	[sflag:s8] =	ssyncadd.s32 $0xFFFFE000  }
0x18: {  	_ =	swait.ge [sflag:s9], $0x2000  }
0x19: {  	[sflag:s9] =	ssyncset.done $0x0  }
0x1a: {  	[sflag:s9] =	ssyncadd.s32 $0xFFFFE000  }
0x1b: {  	_ =	swait.ge [sflag:s10], $0x2000  }
0x1c: {  	[sflag:s10] =	ssyncset.done $0x0  }
0x1d: {  	[sflag:s10] =	ssyncadd.s32 $0xFFFFE000  }
0x1e: {  	_ =	swait.ge [sflag:s12], $0x2000  }
0x1f: {  	s3 =	rddreg [dreg:$0xd]  }
0x20: {  	s2 =	rddreg [dreg:$0xc];
	s3 =	sadd.s32 $0x1, s3  }
0x21: {  	p0 =	sne.s32 s3, s2  }
.Ltmp1:
0x22: {  	_ = 	snop;
	(pc) =	sbr.rel @!p0 .LBB2_21-.Ltmp1, $3  }
0x23: {  	_ =	sdelay $0x1  }
0x24: {  	[sflag:s12] =	ssyncset.done $0x0  }
0x25: {  	[sflag:s12] =	ssyncadd.s32 $0xFFFFE000  }
.LBB2_1:
0x26: {  	[dreg:$0xd] =	wrdreg s3  }
0x27: {  	s2 =	rddreg [dreg:$0x1];
	s6 =	simm.s32 $0x9  }
0x28: {  	[tilespmem:s4], [sflag:$0x9] =	stream.linear.gather [hbm4b:s2+s4], $0x800, $0x38;
	[tilespmem:$0x10800] =	vst v63  }
0x29: {  	_ =	swait.ge [sflag:s6], $0x800  }
0x2a: {  	[sflag:s6] =	ssyncset.done $0x0  }
0x2b: {  	s14 =	rddreg [dreg:$0x4];
	[sflag:s6] =	ssyncadd.s32 $0xFFFFF800  }
0x2c: {  	[tilespmem:s23], [sflag:$0x1] =	stream.linear.gather [hbm4b:s14+s4], $0x2000, $0x38;
	[tilespmem:$0x10800] =	vst v63  }
0x2d: {  	s16 =	rddreg [dreg:$0x5]  }
0x2e: {  	[tilespmem:s24], [sflag:$0x2] =	stream.linear.gather [hbm4b:s16+s4], $0x2000, $0x38;
	[tilespmem:$0x10800] =	vst v63  }
0x2f: {  	s21 =	rddreg [dreg:$0x6]  }
0x30: {  	[tilespmem:s25], [sflag:$0x3] =	stream.linear.gather [hbm4b:s21+s4], $0x2000, $0x38;
	[tilespmem:$0x10800] =	vst v63  }
0x31: {  	s22 =	rddreg [dreg:$0x7]  }
0x32: {  	[tilespmem:s26], [sflag:$0x4] =	stream.linear.gather [hbm4b:s22+s4], $0x2000, $0x38;
	[tilespmem:$0x10800] =	vst v63  }
0x33: {  	_ =	swait.ge [sflag:s28], $0x2000  }
0x34: {  	[sflag:s28] =	ssyncset.done $0x0  }
0x35: {  	s29 =	simm.s32 $0x20;
	[sflag:s28] =	ssyncadd.s32 $0xFFFFE000  }
0x36: {  	v1 =	vld [tilespmem:s29+$0x10]  }
0x37: {  	v2 =	vld [tilespmem:s29+$0xFFFFFFF0]  }
0x38: {  	v3 =	vld [tilespmem:s29+$0x0]  }
0x39: {  	v4 =	vld [tilespmem:s29+$0xFFFFFFE0];
	_ =	sdelay $0x4  }
0x3a: {  	v0 =	vld.idx.msk [tilespmem:v1+s23+$0x0], $0xffff  }
0x3b: {  	v6 =	vadd.s32 $0x800, v1;
	v5 =	vld.idx.msk [tilespmem:v2+s23+$0x0], $0xffff  }
0x3c: {  	v7 =	vadd.s32 $0x800, v2;
	v8 =	vld.idx.msk [tilespmem:v3+s23+$0x0], $0xffff  }
0x3d: {  	s31 =	simm.s32 $0x60;
	v9 =	vadd.s32 $0x800, v3;
	v10 =	vld.idx.msk [tilespmem:v4+s23+$0x0], $0xffff  }
0x3e: {  	s6 =	simm.s32 $0x9810;
	v13 =	vld [tilespmem:s31+$0x0];
	v11 =	vadd.s32 $0x800, v4  }
0x3f: {  	v12 =	vld [tilespmem:s31+$0xFFFFFFF0];
	[tilespmem:s6+$0xFFFFF020] =	vst v0  }
0x40: {  	[tilespmem:s6+$0xFFFFF000] =	vst v5;
	v6 =	vld.idx.msk [tilespmem:v6+s23+$0x0], $0xffff  }
0x41: {  	[tilespmem:s6+$0xFFFFF010] =	vst v8;
	v5 =	vld.idx.msk [tilespmem:v7+s23+$0x0], $0xffff  }
0x42: {  	[tilespmem:s6+$0xFFFFEFF0] =	vst v10;
	v8 =	vld.idx.msk [tilespmem:v9+s23+$0x0], $0xffff  }
0x43: {  	v7 =	vadd.s32 $0x1000, v1;
	v9 =	vld.idx.msk [tilespmem:v11+s23+$0x0], $0xffff  }
0x44: {  	v11 =	vadd.s32 $0x1000, v4  }
0x45: {  	v0 =	vld [tilespmem:s31+$0x10]  }
0x46: {  	v15 =	vld.idx.msk [tilespmem:v13+s23+$0x0], $0xffff;
	[tilespmem:s6+$0xFFFFF820] =	vst v6  }
0x47: {  	s21 =	sand.u32 $0x7C0, s4;
	v10 =	vadd.s32 $0x1000, v2;
	[tilespmem:s6+$0xFFFFF800] =	vst v5;
	v5 =	vld [tilespmem:s31+$0xFFFFFFE0]  }
0x48: {  	[tilespmem:s21+$0x9000] =	vst v9;
	v7 =	vld.idx.msk [tilespmem:v7+s23+$0x0], $0xffff  }
0x49: {  	v6 =	vadd.s32 $0x1000, v3;
	[tilespmem:s6+$0xFFFFF810] =	vst v8;
	v8 =	vld.idx.msk [tilespmem:v11+s23+$0x0], $0xffff  }
0x4a: {  	v18 =	vadd.s32 $0x800, v13;
	v11 =	vld.idx.msk [tilespmem:v12+s23+$0x0], $0xffff  }
0x4b: {  	v1 =	vadd.s32 $0x1800, v1  }
0x4c: {  	s14 =	simm.s32 $0x9850;
	v9 =	vld.idx.msk [tilespmem:v10+s23+$0x0], $0xffff  }
0x4d: {  	[tilespmem:s14+$0xFFFFF010] =	vst v15;
	v4 =	vadd.s32 $0x1800, v4;
	v10 =	vld.idx.msk [tilespmem:v0+s23+$0x0], $0xffff  }
0x4e: {  	v2 =	vadd.s32 $0x1800, v2;
	v6 =	vld.idx.msk [tilespmem:v6+s23+$0x0], $0xffff;
	[tilespmem:s6+$0x20] =	vst v7  }
0x4f: {  	v14 =	vadd.s32 $0x800, v0;
	[tilespmem:s14+$0xFFFFF000] =	vst v11;
	v11 =	vld.idx.msk [tilespmem:v18+s23+$0x0], $0xffff  }
0x50: {  	v3 =	vadd.s32 $0x1800, v3;
	v1 =	vld.idx.msk [tilespmem:v1+s23+$0x0], $0xffff  }
0x51: {  	v16 =	vadd.s32 $0x800, v12;
	[tilespmem:s21+$0x9800] =	vst v8;
	v17 =	vld.idx.msk [tilespmem:v5+s23+$0x0], $0xffff  }
0x52: {  	v20 =	vadd.s32 $0x800, v5;
	[tilespmem:s6+$0x0] =	vst v9;
	v19 =	vld.idx.msk [tilespmem:v4+s23+$0x0], $0xffff  }
0x53: {  	[tilespmem:s14+$0xFFFFF020] =	vst v10;
	v7 =	vld.idx.msk [tilespmem:v2+s23+$0x0], $0xffff  }
0x54: {  	v9 =	vld.idx.msk [tilespmem:v14+s23+$0x0], $0xffff;
	[tilespmem:s6+$0x10] =	vst v6  }
0x55: {  	v4 =	vadd.s32 $0x1000, v13;
	v2 =	vadd.s32 $0x1800, v13;
	v13 =	vadd.s32 $0x1000, v0;
	v8 =	vld.idx.msk [tilespmem:v3+s23+$0x0], $0xffff;
	[tilespmem:s6+$0x820] =	vst v1  }
0x56: {  	v10 =	vld.idx.msk [tilespmem:v16+s23+$0x0], $0xffff;
	v6 =	vadd.s32 $0x1000, v5;
	[tilespmem:s14+$0xFFFFEFF0] =	vst v17  }
0x57: {  	s3 =	simm.s32 $0x4;
	s16 =	simm.s32 $0xA0;
	v5 =	vadd.s32 $0x1800, v5;
	v3 =	vadd.s32 $0x1000, v12;
	v1 =	vadd.s32 $0x1800, v12;
	[tilespmem:s21+$0xA000] =	vst v19;
	s21 =	simm.s32 $0x0;
	v12 =	vld.idx.msk [tilespmem:v20+s23+$0x0], $0xffff  }
.LBB2_2:
0x58: {  	v14 =	vld [tilespmem:s16+$0x10];
	s3 =	sadd.s32 $0x4, s3;
	[tilespmem:s6+$0x800] =	vst v7  }
0x59: {  	v7 =	vld [tilespmem:s16+$0xFFFFFFF0];
	p0 =	slt.u32 s3, $0x7C;
	[tilespmem:s14+$0xFFFFF820] =	vst v9  }
0x5a: {  	v9 =	vld.idx.msk [tilespmem:v13+s23+$0x0], $0xffff;
	[tilespmem:s6+$0x810] =	vst v8;
	s6 =	smov.u32 s14  }
0x5b: {  	s21 =	sadd.s32 $0x40, s21;
	v8 =	vld [tilespmem:s16+$0x0];
	[tilespmem:s14+$0xFFFFF800] =	vst v10  }
0x5c: {  	s22 =	sand.u32 $0x7C0, s21;
	v10 =	vld [tilespmem:s16+$0xFFFFFFE0];
	[tilespmem:s14+$0xFFFFF810] =	vst v11;
	v11 =	vadd.s32 $0x1800, v0  }
0x5d: {  	[tilespmem:s22+$0x9000] =	vst v12;
	v12 =	vld.idx.msk [tilespmem:v3+s23+$0x0], $0xffff;
	v0 =	vmov v14  }
0x5e: {  	v13 =	vadd.s32 $0x800, v7;
	v3 =	vadd.s32 $0x1000, v7;
	v15 =	vadd.s32 $0x1800, v7;
	v16 =	vld.idx.msk [tilespmem:v6+s23+$0x0], $0xffff  }
0x5f: {  	v17 =	vld.idx.msk [tilespmem:v4+s23+$0x0], $0xffff  }
0x60: {  	v18 =	vadd.s32 $0x800, v8;
	v4 =	vadd.s32 $0x1000, v8;
	v19 =	vadd.s32 $0x1800, v8;
	v14 =	vld.idx.msk [tilespmem:v14+s23+$0x0], $0xffff;
	[tilespmem:s14+$0x20] =	vst v9  }
0x61: {  	v20 =	vadd.s32 $0x800, v10;
	v6 =	vadd.s32 $0x1000, v10;
	v9 =	vadd.s32 $0x1800, v10;
	v11 =	vld.idx.msk [tilespmem:v11+s23+$0x0], $0xffff  }
0x62: {  	v22 =	vadd.s32 $0x800, v0;
	v21 =	vld.idx.msk [tilespmem:v7+s23+$0x0], $0xffff  }
0x63: {  	v23 =	vld.idx.msk [tilespmem:v8+s23+$0x0], $0xffff;
	[tilespmem:s14+$0x0] =	vst v12  }
0x64: {  	v12 =	vld.idx.msk [tilespmem:v10+s23+$0x0], $0xffff;
	[tilespmem:s22+$0x9800] =	vst v16  }
0x65: {  	s14 =	sadd.s32 $0x40, s14;
	v16 =	vld.idx.msk [tilespmem:v5+s23+$0x0], $0xffff;
	[tilespmem:s6+$0x10] =	vst v17;
	v5 =	vmov v9  }
0x66: {  	[tilespmem:s14+$0xFFFFF020] =	vst v14;
	v7 =	vld.idx.msk [tilespmem:v1+s23+$0x0], $0xffff;
	v1 =	vmov v15  }
.Ltmp2:
0x67: {  	v9 =	vld.idx.msk [tilespmem:v22+s23+$0x0], $0xffff;
	[tilespmem:s6+$0x820] =	vst v11;
	(pc) =	sbr.rel @p0 .LBB2_2-.Ltmp2, $4  }
0x68: {  	[tilespmem:s14+$0xFFFFF000] =	vst v21;
	v8 =	vld.idx.msk [tilespmem:v2+s23+$0x0], $0xffff;
	v2 =	vmov v19  }
0x69: {  	v10 =	vld.idx.msk [tilespmem:v13+s23+$0x0], $0xffff;
	[tilespmem:s14+$0xFFFFF010] =	vst v23;
	v13 =	vadd.s32 $0x1000, v0  }
0x6a: {  	[tilespmem:s14+$0xFFFFEFF0] =	vst v12;
	v11 =	vld.idx.msk [tilespmem:v18+s23+$0x0], $0xffff  }
0x6b: {  	s16 =	sadd.s32 $0x40, s16;
	v12 =	vld.idx.msk [tilespmem:v20+s23+$0x0], $0xffff;
	[tilespmem:s22+$0xA000] =	vst v16  }
0x6c: {  	_ =	sdelay $0x2  }
0x6d: {  	[tilespmem:s14+$0xFFFFF820] =	vst v9  }
0x6e: {  	s3 =	sadd.s32 $0x40, s21;
	v9 =	vld.idx.msk [tilespmem:v13+s23+$0x0], $0xffff;
	[tilespmem:s14+$0xFFFFF800] =	vst v10  }
0x6f: {  	v0 =	vadd.s32 $0x1800, v0;
	s3 =	sand.u32 $0x7C0, s3;
	[tilespmem:s14+$0xFFFFF810] =	vst v11;
	v3 =	vld.idx.msk [tilespmem:v3+s23+$0x0], $0xffff  }
0x70: {  	[tilespmem:s3+$0x9000] =	vst v12;
	v4 =	vld.idx.msk [tilespmem:v4+s23+$0x0], $0xffff  }
0x71: {  	v6 =	vld.idx.msk [tilespmem:v6+s23+$0x0], $0xffff;
	_ =	sdelay $0x1  }
0x72: {  	[tilespmem:s14+$0x20] =	vst v9  }
0x73: {  	v0 =	vld.idx.msk [tilespmem:v0+s23+$0x0], $0xffff;
	[tilespmem:s14+$0x0] =	vst v3  }
0x74: {  	[tilespmem:s14+$0x10] =	vst v4;
	v1 =	vld.idx.msk [tilespmem:v1+s23+$0x0], $0xffff  }
0x75: {  	[tilespmem:s3+$0x9800] =	vst v6;
	v2 =	vld.idx.msk [tilespmem:v2+s23+$0x0], $0xffff  }
0x76: {  	[tilespmem:s6+$0x800] =	vst v7;
	v3 =	vld.idx.msk [tilespmem:v5+s23+$0x0], $0xffff  }
0x77: {  	[tilespmem:s6+$0x810] =	vst v8  }
0x78: {  	[tilespmem:s14+$0x820] =	vst v0  }
0x79: {  	[tilespmem:s14+$0x800] =	vst v1  }
0x7a: {  	[tilespmem:s14+$0x810] =	vst v2  }
0x7b: {  	[tilespmem:s3+$0xA000] =	vst v3  }
0x7c: {  	s16 =	simm.s32 $0x0;
	s22 =	simm.s32 $0x8800;
	s2 =	rddreg [dreg:$0x8]  }
0x7d: {  	[hbm4b:s2+s16] =	stream.linear.scatter [tilespmem:s22], [sflag:$0x5], $0x2000, $0x38;
	[tilespmem:$0x10800] =	vst v63  }
0x7e: {  	_ = 	snop  }
0x7f: {  	[tilespmem:s23], [sflag:$0x1] =	stream.linear.gather [hbm4b:s11+s16], $0x2000, $0x38;
	[tilespmem:$0x10800] =	vst v63  }
0x80: {  	_ =	swait.ge [sflag:s30], $0x2000  }
0x81: {  	[sflag:s30] =	ssyncset.done $0x0  }
0x82: {  	s29 =	simm.s32 $0x20;
	[sflag:s30] =	ssyncadd.s32 $0xFFFFE000  }
0x83: {  	v1 =	vld [tilespmem:s29+$0x10]  }
0x84: {  	v2 =	vld [tilespmem:s29+$0xFFFFFFF0]  }
0x85: {  	v3 =	vld [tilespmem:s29+$0x0]  }
0x86: {  	v4 =	vld [tilespmem:s29+$0xFFFFFFE0];
	_ =	sdelay $0x4  }
0x87: {  	v0 =	vld.idx.msk [tilespmem:v1+s24+$0x0], $0xffff  }
0x88: {  	v6 =	vadd.s32 $0x800, v1;
	v5 =	vld.idx.msk [tilespmem:v2+s24+$0x0], $0xffff  }
0x89: {  	v7 =	vadd.s32 $0x800, v2;
	v8 =	vld.idx.msk [tilespmem:v3+s24+$0x0], $0xffff  }
0x8a: {  	s31 =	simm.s32 $0x60;
	v9 =	vadd.s32 $0x800, v3;
	v10 =	vld.idx.msk [tilespmem:v4+s24+$0x0], $0xffff  }
0x8b: {  	s6 =	simm.s32 $0xB810;
	v13 =	vld [tilespmem:s31+$0x0];
	v11 =	vadd.s32 $0x800, v4  }
0x8c: {  	v12 =	vld [tilespmem:s31+$0xFFFFFFF0];
	[tilespmem:s6+$0xFFFFF020] =	vst v0  }
0x8d: {  	[tilespmem:s6+$0xFFFFF000] =	vst v5;
	v6 =	vld.idx.msk [tilespmem:v6+s24+$0x0], $0xffff  }
0x8e: {  	[tilespmem:s6+$0xFFFFF010] =	vst v8;
	v5 =	vld.idx.msk [tilespmem:v7+s24+$0x0], $0xffff  }
0x8f: {  	[tilespmem:s6+$0xFFFFEFF0] =	vst v10;
	v8 =	vld.idx.msk [tilespmem:v9+s24+$0x0], $0xffff  }
0x90: {  	v7 =	vadd.s32 $0x1000, v1;
	v9 =	vld.idx.msk [tilespmem:v11+s24+$0x0], $0xffff  }
0x91: {  	v11 =	vadd.s32 $0x1000, v4  }
0x92: {  	v0 =	vld [tilespmem:s31+$0x10]  }
0x93: {  	v15 =	vld.idx.msk [tilespmem:v13+s24+$0x0], $0xffff;
	[tilespmem:s6+$0xFFFFF820] =	vst v6  }
0x94: {  	s22 =	sand.u32 $0x7C0, s16;
	v10 =	vadd.s32 $0x1000, v2;
	[tilespmem:s6+$0xFFFFF800] =	vst v5;
	v5 =	vld [tilespmem:s31+$0xFFFFFFE0]  }
0x95: {  	[tilespmem:s22+$0xB000] =	vst v9;
	v7 =	vld.idx.msk [tilespmem:v7+s24+$0x0], $0xffff  }
0x96: {  	v6 =	vadd.s32 $0x1000, v3;
	[tilespmem:s6+$0xFFFFF810] =	vst v8;
	v8 =	vld.idx.msk [tilespmem:v11+s24+$0x0], $0xffff  }
0x97: {  	v18 =	vadd.s32 $0x800, v13;
	v11 =	vld.idx.msk [tilespmem:v12+s24+$0x0], $0xffff  }
0x98: {  	v1 =	vadd.s32 $0x1800, v1  }
0x99: {  	s14 =	simm.s32 $0xB850;
	v9 =	vld.idx.msk [tilespmem:v10+s24+$0x0], $0xffff  }
0x9a: {  	[tilespmem:s14+$0xFFFFF010] =	vst v15;
	v4 =	vadd.s32 $0x1800, v4;
	v10 =	vld.idx.msk [tilespmem:v0+s24+$0x0], $0xffff  }
0x9b: {  	v2 =	vadd.s32 $0x1800, v2;
	v6 =	vld.idx.msk [tilespmem:v6+s24+$0x0], $0xffff;
	[tilespmem:s6+$0x20] =	vst v7  }
0x9c: {  	v14 =	vadd.s32 $0x800, v0;
	[tilespmem:s14+$0xFFFFF000] =	vst v11;
	v11 =	vld.idx.msk [tilespmem:v18+s24+$0x0], $0xffff  }
0x9d: {  	v3 =	vadd.s32 $0x1800, v3;
	v1 =	vld.idx.msk [tilespmem:v1+s24+$0x0], $0xffff  }
0x9e: {  	v16 =	vadd.s32 $0x800, v12;
	[tilespmem:s22+$0xB800] =	vst v8;
	v17 =	vld.idx.msk [tilespmem:v5+s24+$0x0], $0xffff  }
0x9f: {  	v20 =	vadd.s32 $0x800, v5;
	[tilespmem:s6+$0x0] =	vst v9;
	v19 =	vld.idx.msk [tilespmem:v4+s24+$0x0], $0xffff  }
0xa0: {  	[tilespmem:s14+$0xFFFFF020] =	vst v10;
	v7 =	vld.idx.msk [tilespmem:v2+s24+$0x0], $0xffff  }
0xa1: {  	v9 =	vld.idx.msk [tilespmem:v14+s24+$0x0], $0xffff;
	[tilespmem:s6+$0x10] =	vst v6  }
0xa2: {  	v4 =	vadd.s32 $0x1000, v13;
	v2 =	vadd.s32 $0x1800, v13;
	v13 =	vadd.s32 $0x1000, v0;
	v8 =	vld.idx.msk [tilespmem:v3+s24+$0x0], $0xffff;
	[tilespmem:s6+$0x820] =	vst v1  }
0xa3: {  	v10 =	vld.idx.msk [tilespmem:v16+s24+$0x0], $0xffff;
	v6 =	vadd.s32 $0x1000, v5;
	[tilespmem:s14+$0xFFFFEFF0] =	vst v17  }
0xa4: {  	s21 =	simm.s32 $0xA0;
	s3 =	simm.s32 $0x4;
	v5 =	vadd.s32 $0x1800, v5;
	v3 =	vadd.s32 $0x1000, v12;
	v1 =	vadd.s32 $0x1800, v12;
	[tilespmem:s22+$0xC000] =	vst v19;
	v12 =	vld.idx.msk [tilespmem:v20+s24+$0x0], $0xffff  }
.LBB2_4:
0xa5: {  	v14 =	vld [tilespmem:s21+$0x10];
	s3 =	sadd.s32 $0x4, s3;
	[tilespmem:s6+$0x800] =	vst v7  }
0xa6: {  	v7 =	vld [tilespmem:s21+$0xFFFFFFF0];
	p0 =	slt.u32 s3, $0x7C;
	[tilespmem:s14+$0xFFFFF820] =	vst v9  }
0xa7: {  	v9 =	vld.idx.msk [tilespmem:v13+s24+$0x0], $0xffff;
	[tilespmem:s6+$0x810] =	vst v8;
	s6 =	smov.u32 s14  }
0xa8: {  	s16 =	sadd.s32 $0x40, s16;
	v8 =	vld [tilespmem:s21+$0x0];
	[tilespmem:s14+$0xFFFFF800] =	vst v10  }
0xa9: {  	s22 =	sand.u32 $0x7C0, s16;
	v10 =	vld [tilespmem:s21+$0xFFFFFFE0];
	[tilespmem:s14+$0xFFFFF810] =	vst v11;
	v11 =	vadd.s32 $0x1800, v0  }
0xaa: {  	[tilespmem:s22+$0xB000] =	vst v12;
	v12 =	vld.idx.msk [tilespmem:v3+s24+$0x0], $0xffff;
	v0 =	vmov v14  }
0xab: {  	v13 =	vadd.s32 $0x800, v7;
	v3 =	vadd.s32 $0x1000, v7;
	v15 =	vadd.s32 $0x1800, v7;
	v16 =	vld.idx.msk [tilespmem:v6+s24+$0x0], $0xffff  }
0xac: {  	v17 =	vld.idx.msk [tilespmem:v4+s24+$0x0], $0xffff  }
0xad: {  	v18 =	vadd.s32 $0x800, v8;
	v4 =	vadd.s32 $0x1000, v8;
	v19 =	vadd.s32 $0x1800, v8;
	v14 =	vld.idx.msk [tilespmem:v14+s24+$0x0], $0xffff;
	[tilespmem:s14+$0x20] =	vst v9  }
0xae: {  	v20 =	vadd.s32 $0x800, v10;
	v6 =	vadd.s32 $0x1000, v10;
	v9 =	vadd.s32 $0x1800, v10;
	v11 =	vld.idx.msk [tilespmem:v11+s24+$0x0], $0xffff  }
0xaf: {  	v22 =	vadd.s32 $0x800, v0;
	v21 =	vld.idx.msk [tilespmem:v7+s24+$0x0], $0xffff  }
0xb0: {  	v23 =	vld.idx.msk [tilespmem:v8+s24+$0x0], $0xffff;
	[tilespmem:s14+$0x0] =	vst v12  }
0xb1: {  	v12 =	vld.idx.msk [tilespmem:v10+s24+$0x0], $0xffff;
	[tilespmem:s22+$0xB800] =	vst v16  }
0xb2: {  	s14 =	sadd.s32 $0x40, s14;
	v16 =	vld.idx.msk [tilespmem:v5+s24+$0x0], $0xffff;
	[tilespmem:s6+$0x10] =	vst v17;
	v5 =	vmov v9  }
0xb3: {  	[tilespmem:s14+$0xFFFFF020] =	vst v14;
	v7 =	vld.idx.msk [tilespmem:v1+s24+$0x0], $0xffff;
	v1 =	vmov v15  }
.Ltmp3:
0xb4: {  	v9 =	vld.idx.msk [tilespmem:v22+s24+$0x0], $0xffff;
	[tilespmem:s6+$0x820] =	vst v11;
	(pc) =	sbr.rel @p0 .LBB2_4-.Ltmp3, $4  }
0xb5: {  	[tilespmem:s14+$0xFFFFF000] =	vst v21;
	v8 =	vld.idx.msk [tilespmem:v2+s24+$0x0], $0xffff;
	v2 =	vmov v19  }
0xb6: {  	v10 =	vld.idx.msk [tilespmem:v13+s24+$0x0], $0xffff;
	[tilespmem:s14+$0xFFFFF010] =	vst v23;
	v13 =	vadd.s32 $0x1000, v0  }
0xb7: {  	[tilespmem:s14+$0xFFFFEFF0] =	vst v12;
	v11 =	vld.idx.msk [tilespmem:v18+s24+$0x0], $0xffff  }
0xb8: {  	s21 =	sadd.s32 $0x40, s21;
	v12 =	vld.idx.msk [tilespmem:v20+s24+$0x0], $0xffff;
	[tilespmem:s22+$0xC000] =	vst v16  }
0xb9: {  	_ =	sdelay $0x2  }
0xba: {  	[tilespmem:s14+$0xFFFFF820] =	vst v9  }
0xbb: {  	s3 =	sadd.s32 $0x40, s16;
	v9 =	vld.idx.msk [tilespmem:v13+s24+$0x0], $0xffff;
	[tilespmem:s14+$0xFFFFF800] =	vst v10  }
0xbc: {  	v0 =	vadd.s32 $0x1800, v0;
	s3 =	sand.u32 $0x7C0, s3;
	[tilespmem:s14+$0xFFFFF810] =	vst v11;
	v3 =	vld.idx.msk [tilespmem:v3+s24+$0x0], $0xffff  }
0xbd: {  	[tilespmem:s3+$0xB000] =	vst v12;
	v4 =	vld.idx.msk [tilespmem:v4+s24+$0x0], $0xffff  }
0xbe: {  	v6 =	vld.idx.msk [tilespmem:v6+s24+$0x0], $0xffff;
	_ =	sdelay $0x1  }
0xbf: {  	[tilespmem:s14+$0x20] =	vst v9  }
0xc0: {  	v0 =	vld.idx.msk [tilespmem:v0+s24+$0x0], $0xffff;
	[tilespmem:s14+$0x0] =	vst v3  }
0xc1: {  	[tilespmem:s14+$0x10] =	vst v4;
	v1 =	vld.idx.msk [tilespmem:v1+s24+$0x0], $0xffff  }
0xc2: {  	[tilespmem:s3+$0xB800] =	vst v6;
	v2 =	vld.idx.msk [tilespmem:v2+s24+$0x0], $0xffff  }
0xc3: {  	[tilespmem:s6+$0x800] =	vst v7;
	v3 =	vld.idx.msk [tilespmem:v5+s24+$0x0], $0xffff  }
0xc4: {  	[tilespmem:s6+$0x810] =	vst v8  }
0xc5: {  	[tilespmem:s14+$0x820] =	vst v0  }
0xc6: {  	[tilespmem:s14+$0x800] =	vst v1  }
0xc7: {  	[tilespmem:s14+$0x810] =	vst v2  }
0xc8: {  	[tilespmem:s3+$0xC000] =	vst v3  }
0xc9: {  	s16 =	simm.s32 $0x0;
	s22 =	simm.s32 $0xA800;
	s2 =	rddreg [dreg:$0x9]  }
0xca: {  	[hbm4b:s2+s16] =	stream.linear.scatter [tilespmem:s22], [sflag:$0x6], $0x2000, $0x38;
	[tilespmem:$0x10800] =	vst v63  }
0xcb: {  	_ = 	snop  }
0xcc: {  	[tilespmem:s24], [sflag:$0x2] =	stream.linear.gather [hbm4b:s13+s16], $0x2000, $0x38;
	[tilespmem:$0x10800] =	vst v63  }
0xcd: {  	_ =	swait.ge [sflag:s0], $0x2000  }
0xce: {  	[sflag:s0] =	ssyncset.done $0x0  }
0xcf: {  	s29 =	simm.s32 $0x20;
	[sflag:s0] =	ssyncadd.s32 $0xFFFFE000  }
0xd0: {  	v1 =	vld [tilespmem:s29+$0x10]  }
0xd1: {  	v2 =	vld [tilespmem:s29+$0xFFFFFFF0]  }
0xd2: {  	v3 =	vld [tilespmem:s29+$0x0]  }
0xd3: {  	v4 =	vld [tilespmem:s29+$0xFFFFFFE0];
	_ =	sdelay $0x4  }
0xd4: {  	v0 =	vld.idx.msk [tilespmem:v1+s25+$0x0], $0xffff  }
0xd5: {  	v6 =	vadd.s32 $0x800, v1;
	v5 =	vld.idx.msk [tilespmem:v2+s25+$0x0], $0xffff  }
0xd6: {  	v7 =	vadd.s32 $0x800, v2;
	v8 =	vld.idx.msk [tilespmem:v3+s25+$0x0], $0xffff  }
0xd7: {  	s31 =	simm.s32 $0x60;
	v9 =	vadd.s32 $0x800, v3;
	v10 =	vld.idx.msk [tilespmem:v4+s25+$0x0], $0xffff  }
0xd8: {  	s6 =	simm.s32 $0xD810;
	v13 =	vld [tilespmem:s31+$0x0];
	v11 =	vadd.s32 $0x800, v4  }
0xd9: {  	v12 =	vld [tilespmem:s31+$0xFFFFFFF0];
	[tilespmem:s6+$0xFFFFF020] =	vst v0  }
0xda: {  	[tilespmem:s6+$0xFFFFF000] =	vst v5;
	v6 =	vld.idx.msk [tilespmem:v6+s25+$0x0], $0xffff  }
0xdb: {  	[tilespmem:s6+$0xFFFFF010] =	vst v8;
	v5 =	vld.idx.msk [tilespmem:v7+s25+$0x0], $0xffff  }
0xdc: {  	[tilespmem:s6+$0xFFFFEFF0] =	vst v10;
	v8 =	vld.idx.msk [tilespmem:v9+s25+$0x0], $0xffff  }
0xdd: {  	v7 =	vadd.s32 $0x1000, v1;
	v9 =	vld.idx.msk [tilespmem:v11+s25+$0x0], $0xffff  }
0xde: {  	v11 =	vadd.s32 $0x1000, v4  }
0xdf: {  	v0 =	vld [tilespmem:s31+$0x10]  }
0xe0: {  	v15 =	vld.idx.msk [tilespmem:v13+s25+$0x0], $0xffff;
	[tilespmem:s6+$0xFFFFF820] =	vst v6  }
0xe1: {  	s22 =	sand.u32 $0x7C0, s16;
	v10 =	vadd.s32 $0x1000, v2;
	[tilespmem:s6+$0xFFFFF800] =	vst v5;
	v5 =	vld [tilespmem:s31+$0xFFFFFFE0]  }
0xe2: {  	[tilespmem:s22+$0xD000] =	vst v9;
	v7 =	vld.idx.msk [tilespmem:v7+s25+$0x0], $0xffff  }
0xe3: {  	v6 =	vadd.s32 $0x1000, v3;
	[tilespmem:s6+$0xFFFFF810] =	vst v8;
	v8 =	vld.idx.msk [tilespmem:v11+s25+$0x0], $0xffff  }
0xe4: {  	v18 =	vadd.s32 $0x800, v13;
	v11 =	vld.idx.msk [tilespmem:v12+s25+$0x0], $0xffff  }
0xe5: {  	v1 =	vadd.s32 $0x1800, v1  }
0xe6: {  	s14 =	simm.s32 $0xD850;
	v9 =	vld.idx.msk [tilespmem:v10+s25+$0x0], $0xffff  }
0xe7: {  	[tilespmem:s14+$0xFFFFF010] =	vst v15;
	v4 =	vadd.s32 $0x1800, v4;
	v10 =	vld.idx.msk [tilespmem:v0+s25+$0x0], $0xffff  }
0xe8: {  	v2 =	vadd.s32 $0x1800, v2;
	v6 =	vld.idx.msk [tilespmem:v6+s25+$0x0], $0xffff;
	[tilespmem:s6+$0x20] =	vst v7  }
0xe9: {  	v14 =	vadd.s32 $0x800, v0;
	[tilespmem:s14+$0xFFFFF000] =	vst v11;
	v11 =	vld.idx.msk [tilespmem:v18+s25+$0x0], $0xffff  }
0xea: {  	v3 =	vadd.s32 $0x1800, v3;
	v1 =	vld.idx.msk [tilespmem:v1+s25+$0x0], $0xffff  }
0xeb: {  	v16 =	vadd.s32 $0x800, v12;
	[tilespmem:s22+$0xD800] =	vst v8;
	v17 =	vld.idx.msk [tilespmem:v5+s25+$0x0], $0xffff  }
0xec: {  	v20 =	vadd.s32 $0x800, v5;
	[tilespmem:s6+$0x0] =	vst v9;
	v19 =	vld.idx.msk [tilespmem:v4+s25+$0x0], $0xffff  }
0xed: {  	[tilespmem:s14+$0xFFFFF020] =	vst v10;
	v7 =	vld.idx.msk [tilespmem:v2+s25+$0x0], $0xffff  }
0xee: {  	v9 =	vld.idx.msk [tilespmem:v14+s25+$0x0], $0xffff;
	[tilespmem:s6+$0x10] =	vst v6  }
0xef: {  	v4 =	vadd.s32 $0x1000, v13;
	v2 =	vadd.s32 $0x1800, v13;
	v13 =	vadd.s32 $0x1000, v0;
	v8 =	vld.idx.msk [tilespmem:v3+s25+$0x0], $0xffff;
	[tilespmem:s6+$0x820] =	vst v1  }
0xf0: {  	v10 =	vld.idx.msk [tilespmem:v16+s25+$0x0], $0xffff;
	v6 =	vadd.s32 $0x1000, v5;
	[tilespmem:s14+$0xFFFFEFF0] =	vst v17  }
0xf1: {  	s21 =	simm.s32 $0xA0;
	s3 =	simm.s32 $0x4;
	v5 =	vadd.s32 $0x1800, v5;
	v3 =	vadd.s32 $0x1000, v12;
	v1 =	vadd.s32 $0x1800, v12;
	[tilespmem:s22+$0xE000] =	vst v19;
	v12 =	vld.idx.msk [tilespmem:v20+s25+$0x0], $0xffff  }
.LBB2_6:
0xf2: {  	v14 =	vld [tilespmem:s21+$0x10];
	s3 =	sadd.s32 $0x4, s3;
	[tilespmem:s6+$0x800] =	vst v7  }
0xf3: {  	v7 =	vld [tilespmem:s21+$0xFFFFFFF0];
	p0 =	slt.u32 s3, $0x7C;
	[tilespmem:s14+$0xFFFFF820] =	vst v9  }
0xf4: {  	v9 =	vld.idx.msk [tilespmem:v13+s25+$0x0], $0xffff;
	[tilespmem:s6+$0x810] =	vst v8;
	s6 =	smov.u32 s14  }
0xf5: {  	s16 =	sadd.s32 $0x40, s16;
	v8 =	vld [tilespmem:s21+$0x0];
	[tilespmem:s14+$0xFFFFF800] =	vst v10  }
0xf6: {  	s22 =	sand.u32 $0x7C0, s16;
	v10 =	vld [tilespmem:s21+$0xFFFFFFE0];
	[tilespmem:s14+$0xFFFFF810] =	vst v11;
	v11 =	vadd.s32 $0x1800, v0  }
0xf7: {  	[tilespmem:s22+$0xD000] =	vst v12;
	v12 =	vld.idx.msk [tilespmem:v3+s25+$0x0], $0xffff;
	v0 =	vmov v14  }
0xf8: {  	v13 =	vadd.s32 $0x800, v7;
	v3 =	vadd.s32 $0x1000, v7;
	v15 =	vadd.s32 $0x1800, v7;
	v16 =	vld.idx.msk [tilespmem:v6+s25+$0x0], $0xffff  }
0xf9: {  	v17 =	vld.idx.msk [tilespmem:v4+s25+$0x0], $0xffff  }
0xfa: {  	v18 =	vadd.s32 $0x800, v8;
	v4 =	vadd.s32 $0x1000, v8;
	v19 =	vadd.s32 $0x1800, v8;
	v14 =	vld.idx.msk [tilespmem:v14+s25+$0x0], $0xffff;
	[tilespmem:s14+$0x20] =	vst v9  }
0xfb: {  	v20 =	vadd.s32 $0x800, v10;
	v6 =	vadd.s32 $0x1000, v10;
	v9 =	vadd.s32 $0x1800, v10;
	v11 =	vld.idx.msk [tilespmem:v11+s25+$0x0], $0xffff  }
0xfc: {  	v22 =	vadd.s32 $0x800, v0;
	v21 =	vld.idx.msk [tilespmem:v7+s25+$0x0], $0xffff  }
0xfd: {  	v23 =	vld.idx.msk [tilespmem:v8+s25+$0x0], $0xffff;
	[tilespmem:s14+$0x0] =	vst v12  }
0xfe: {  	v12 =	vld.idx.msk [tilespmem:v10+s25+$0x0], $0xffff;
	[tilespmem:s22+$0xD800] =	vst v16  }
0xff: {  	s14 =	sadd.s32 $0x40, s14;
	v16 =	vld.idx.msk [tilespmem:v5+s25+$0x0], $0xffff;
	[tilespmem:s6+$0x10] =	vst v17;
	v5 =	vmov v9  }
0x100: {  	[tilespmem:s14+$0xFFFFF020] =	vst v14;
	v7 =	vld.idx.msk [tilespmem:v1+s25+$0x0], $0xffff;
	v1 =	vmov v15  }
.Ltmp4:
0x101: {  	v9 =	vld.idx.msk [tilespmem:v22+s25+$0x0], $0xffff;
	[tilespmem:s6+$0x820] =	vst v11;
	(pc) =	sbr.rel @p0 .LBB2_6-.Ltmp4, $4  }
0x102: {  	[tilespmem:s14+$0xFFFFF000] =	vst v21;
	v8 =	vld.idx.msk [tilespmem:v2+s25+$0x0], $0xffff;
	v2 =	vmov v19  }
0x103: {  	v10 =	vld.idx.msk [tilespmem:v13+s25+$0x0], $0xffff;
	[tilespmem:s14+$0xFFFFF010] =	vst v23;
	v13 =	vadd.s32 $0x1000, v0  }
0x104: {  	[tilespmem:s14+$0xFFFFEFF0] =	vst v12;
	v11 =	vld.idx.msk [tilespmem:v18+s25+$0x0], $0xffff  }
0x105: {  	s21 =	sadd.s32 $0x40, s21;
	v12 =	vld.idx.msk [tilespmem:v20+s25+$0x0], $0xffff;
	[tilespmem:s22+$0xE000] =	vst v16  }
0x106: {  	_ =	sdelay $0x2  }
0x107: {  	[tilespmem:s14+$0xFFFFF820] =	vst v9  }
0x108: {  	s3 =	sadd.s32 $0x40, s16;
	v9 =	vld.idx.msk [tilespmem:v13+s25+$0x0], $0xffff;
	[tilespmem:s14+$0xFFFFF800] =	vst v10  }
0x109: {  	v0 =	vadd.s32 $0x1800, v0;
	s3 =	sand.u32 $0x7C0, s3;
	[tilespmem:s14+$0xFFFFF810] =	vst v11;
	v3 =	vld.idx.msk [tilespmem:v3+s25+$0x0], $0xffff  }
0x10a: {  	[tilespmem:s3+$0xD000] =	vst v12;
	v4 =	vld.idx.msk [tilespmem:v4+s25+$0x0], $0xffff  }
0x10b: {  	v6 =	vld.idx.msk [tilespmem:v6+s25+$0x0], $0xffff;
	_ =	sdelay $0x1  }
0x10c: {  	[tilespmem:s14+$0x20] =	vst v9  }
0x10d: {  	v0 =	vld.idx.msk [tilespmem:v0+s25+$0x0], $0xffff;
	[tilespmem:s14+$0x0] =	vst v3  }
0x10e: {  	[tilespmem:s14+$0x10] =	vst v4;
	v1 =	vld.idx.msk [tilespmem:v1+s25+$0x0], $0xffff  }
0x10f: {  	[tilespmem:s3+$0xD800] =	vst v6;
	v2 =	vld.idx.msk [tilespmem:v2+s25+$0x0], $0xffff  }
0x110: {  	[tilespmem:s6+$0x800] =	vst v7;
	v3 =	vld.idx.msk [tilespmem:v5+s25+$0x0], $0xffff  }
0x111: {  	[tilespmem:s6+$0x810] =	vst v8  }
0x112: {  	[tilespmem:s14+$0x820] =	vst v0  }
0x113: {  	[tilespmem:s14+$0x800] =	vst v1  }
0x114: {  	[tilespmem:s14+$0x810] =	vst v2  }
0x115: {  	[tilespmem:s3+$0xE000] =	vst v3  }
0x116: {  	s16 =	simm.s32 $0x0;
	s22 =	simm.s32 $0xC800;
	s2 =	rddreg [dreg:$0xa]  }
0x117: {  	[hbm4b:s2+s16] =	stream.linear.scatter [tilespmem:s22], [sflag:$0x7], $0x2000, $0x38;
	[tilespmem:$0x10800] =	vst v63  }
0x118: {  	_ = 	snop  }
0x119: {  	[tilespmem:s25], [sflag:$0x3] =	stream.linear.gather [hbm4b:s15+s16], $0x2000, $0x38;
	[tilespmem:$0x10800] =	vst v63  }
0x11a: {  	_ =	swait.ge [sflag:s1], $0x2000  }
0x11b: {  	[sflag:s1] =	ssyncset.done $0x0  }
0x11c: {  	s29 =	simm.s32 $0x20;
	[sflag:s1] =	ssyncadd.s32 $0xFFFFE000  }
0x11d: {  	v1 =	vld [tilespmem:s29+$0x10]  }
0x11e: {  	v2 =	vld [tilespmem:s29+$0xFFFFFFF0]  }
0x11f: {  	v3 =	vld [tilespmem:s29+$0x0]  }
0x120: {  	v4 =	vld [tilespmem:s29+$0xFFFFFFE0];
	_ =	sdelay $0x4  }
0x121: {  	v0 =	vld.idx.msk [tilespmem:v1+s26+$0x0], $0xffff  }
0x122: {  	v6 =	vadd.s32 $0x800, v1;
	v5 =	vld.idx.msk [tilespmem:v2+s26+$0x0], $0xffff  }
0x123: {  	v7 =	vadd.s32 $0x800, v2;
	v8 =	vld.idx.msk [tilespmem:v3+s26+$0x0], $0xffff  }
0x124: {  	s31 =	simm.s32 $0x60;
	v9 =	vadd.s32 $0x800, v3;
	v10 =	vld.idx.msk [tilespmem:v4+s26+$0x0], $0xffff  }
0x125: {  	s6 =	simm.s32 $0xF810;
	v13 =	vld [tilespmem:s31+$0x0];
	v11 =	vadd.s32 $0x800, v4  }
0x126: {  	v12 =	vld [tilespmem:s31+$0xFFFFFFF0];
	[tilespmem:s6+$0xFFFFF020] =	vst v0  }
0x127: {  	[tilespmem:s6+$0xFFFFF000] =	vst v5;
	v6 =	vld.idx.msk [tilespmem:v6+s26+$0x0], $0xffff  }
0x128: {  	[tilespmem:s6+$0xFFFFF010] =	vst v8;
	v5 =	vld.idx.msk [tilespmem:v7+s26+$0x0], $0xffff  }
0x129: {  	[tilespmem:s6+$0xFFFFEFF0] =	vst v10;
	v8 =	vld.idx.msk [tilespmem:v9+s26+$0x0], $0xffff  }
0x12a: {  	v7 =	vadd.s32 $0x1000, v1;
	v9 =	vld.idx.msk [tilespmem:v11+s26+$0x0], $0xffff  }
0x12b: {  	v11 =	vadd.s32 $0x1000, v4  }
0x12c: {  	v0 =	vld [tilespmem:s31+$0x10]  }
0x12d: {  	v15 =	vld.idx.msk [tilespmem:v13+s26+$0x0], $0xffff;
	[tilespmem:s6+$0xFFFFF820] =	vst v6  }
0x12e: {  	s22 =	sand.u32 $0x7C0, s16;
	v10 =	vadd.s32 $0x1000, v2;
	[tilespmem:s6+$0xFFFFF800] =	vst v5;
	v5 =	vld [tilespmem:s31+$0xFFFFFFE0]  }
0x12f: {  	[tilespmem:s22+$0xF000] =	vst v9;
	v7 =	vld.idx.msk [tilespmem:v7+s26+$0x0], $0xffff  }
0x130: {  	v6 =	vadd.s32 $0x1000, v3;
	[tilespmem:s6+$0xFFFFF810] =	vst v8;
	v8 =	vld.idx.msk [tilespmem:v11+s26+$0x0], $0xffff  }
0x131: {  	v18 =	vadd.s32 $0x800, v13;
	v11 =	vld.idx.msk [tilespmem:v12+s26+$0x0], $0xffff  }
0x132: {  	v1 =	vadd.s32 $0x1800, v1  }
0x133: {  	s14 =	simm.s32 $0xF850;
	v9 =	vld.idx.msk [tilespmem:v10+s26+$0x0], $0xffff  }
0x134: {  	[tilespmem:s14+$0xFFFFF010] =	vst v15;
	v4 =	vadd.s32 $0x1800, v4;
	v10 =	vld.idx.msk [tilespmem:v0+s26+$0x0], $0xffff  }
0x135: {  	v2 =	vadd.s32 $0x1800, v2;
	v6 =	vld.idx.msk [tilespmem:v6+s26+$0x0], $0xffff;
	[tilespmem:s6+$0x20] =	vst v7  }
0x136: {  	v14 =	vadd.s32 $0x800, v0;
	[tilespmem:s14+$0xFFFFF000] =	vst v11;
	v11 =	vld.idx.msk [tilespmem:v18+s26+$0x0], $0xffff  }
0x137: {  	v3 =	vadd.s32 $0x1800, v3;
	v1 =	vld.idx.msk [tilespmem:v1+s26+$0x0], $0xffff  }
0x138: {  	v16 =	vadd.s32 $0x800, v12;
	[tilespmem:s22+$0xF800] =	vst v8;
	v17 =	vld.idx.msk [tilespmem:v5+s26+$0x0], $0xffff  }
0x139: {  	v20 =	vadd.s32 $0x800, v5;
	[tilespmem:s6+$0x0] =	vst v9;
	v19 =	vld.idx.msk [tilespmem:v4+s26+$0x0], $0xffff  }
0x13a: {  	[tilespmem:s14+$0xFFFFF020] =	vst v10;
	v7 =	vld.idx.msk [tilespmem:v2+s26+$0x0], $0xffff  }
0x13b: {  	v9 =	vld.idx.msk [tilespmem:v14+s26+$0x0], $0xffff;
	[tilespmem:s6+$0x10] =	vst v6  }
0x13c: {  	v4 =	vadd.s32 $0x1000, v13;
	v2 =	vadd.s32 $0x1800, v13;
	v13 =	vadd.s32 $0x1000, v0;
	v8 =	vld.idx.msk [tilespmem:v3+s26+$0x0], $0xffff;
	[tilespmem:s6+$0x820] =	vst v1  }
0x13d: {  	v10 =	vld.idx.msk [tilespmem:v16+s26+$0x0], $0xffff;
	v6 =	vadd.s32 $0x1000, v5;
	[tilespmem:s14+$0xFFFFEFF0] =	vst v17  }
0x13e: {  	s21 =	simm.s32 $0xA0;
	s3 =	simm.s32 $0x4;
	v5 =	vadd.s32 $0x1800, v5;
	v3 =	vadd.s32 $0x1000, v12;
	v1 =	vadd.s32 $0x1800, v12;
	[tilespmem:s22+$0x10000] =	vst v19;
	v12 =	vld.idx.msk [tilespmem:v20+s26+$0x0], $0xffff  }
.LBB2_8:
0x13f: {  	v14 =	vld [tilespmem:s21+$0x10];
	s3 =	sadd.s32 $0x4, s3;
	[tilespmem:s6+$0x800] =	vst v7  }
0x140: {  	v7 =	vld [tilespmem:s21+$0xFFFFFFF0];
	p0 =	slt.u32 s3, $0x7C;
	[tilespmem:s14+$0xFFFFF820] =	vst v9  }
0x141: {  	v9 =	vld.idx.msk [tilespmem:v13+s26+$0x0], $0xffff;
	[tilespmem:s6+$0x810] =	vst v8;
	s6 =	smov.u32 s14  }
0x142: {  	s16 =	sadd.s32 $0x40, s16;
	v8 =	vld [tilespmem:s21+$0x0];
	[tilespmem:s14+$0xFFFFF800] =	vst v10  }
0x143: {  	s22 =	sand.u32 $0x7C0, s16;
	v10 =	vld [tilespmem:s21+$0xFFFFFFE0];
	[tilespmem:s14+$0xFFFFF810] =	vst v11;
	v11 =	vadd.s32 $0x1800, v0  }
0x144: {  	[tilespmem:s22+$0xF000] =	vst v12;
	v12 =	vld.idx.msk [tilespmem:v3+s26+$0x0], $0xffff;
	v0 =	vmov v14  }
0x145: {  	v13 =	vadd.s32 $0x800, v7;
	v3 =	vadd.s32 $0x1000, v7;
	v15 =	vadd.s32 $0x1800, v7;
	v16 =	vld.idx.msk [tilespmem:v6+s26+$0x0], $0xffff  }
0x146: {  	v17 =	vld.idx.msk [tilespmem:v4+s26+$0x0], $0xffff  }
0x147: {  	v18 =	vadd.s32 $0x800, v8;
	v4 =	vadd.s32 $0x1000, v8;
	v19 =	vadd.s32 $0x1800, v8;
	v14 =	vld.idx.msk [tilespmem:v14+s26+$0x0], $0xffff;
	[tilespmem:s14+$0x20] =	vst v9  }
0x148: {  	v20 =	vadd.s32 $0x800, v10;
	v6 =	vadd.s32 $0x1000, v10;
	v9 =	vadd.s32 $0x1800, v10;
	v11 =	vld.idx.msk [tilespmem:v11+s26+$0x0], $0xffff  }
0x149: {  	v22 =	vadd.s32 $0x800, v0;
	v21 =	vld.idx.msk [tilespmem:v7+s26+$0x0], $0xffff  }
0x14a: {  	v23 =	vld.idx.msk [tilespmem:v8+s26+$0x0], $0xffff;
	[tilespmem:s14+$0x0] =	vst v12  }
0x14b: {  	v12 =	vld.idx.msk [tilespmem:v10+s26+$0x0], $0xffff;
	[tilespmem:s22+$0xF800] =	vst v16  }
0x14c: {  	s14 =	sadd.s32 $0x40, s14;
	v16 =	vld.idx.msk [tilespmem:v5+s26+$0x0], $0xffff;
	[tilespmem:s6+$0x10] =	vst v17;
	v5 =	vmov v9  }
0x14d: {  	[tilespmem:s14+$0xFFFFF020] =	vst v14;
	v7 =	vld.idx.msk [tilespmem:v1+s26+$0x0], $0xffff;
	v1 =	vmov v15  }
.Ltmp5:
0x14e: {  	v9 =	vld.idx.msk [tilespmem:v22+s26+$0x0], $0xffff;
	[tilespmem:s6+$0x820] =	vst v11;
	(pc) =	sbr.rel @p0 .LBB2_8-.Ltmp5, $4  }
0x14f: {  	[tilespmem:s14+$0xFFFFF000] =	vst v21;
	v8 =	vld.idx.msk [tilespmem:v2+s26+$0x0], $0xffff;
	v2 =	vmov v19  }
0x150: {  	v10 =	vld.idx.msk [tilespmem:v13+s26+$0x0], $0xffff;
	[tilespmem:s14+$0xFFFFF010] =	vst v23;
	v13 =	vadd.s32 $0x1000, v0  }
0x151: {  	[tilespmem:s14+$0xFFFFEFF0] =	vst v12;
	v11 =	vld.idx.msk [tilespmem:v18+s26+$0x0], $0xffff  }
0x152: {  	s21 =	sadd.s32 $0x40, s21;
	v12 =	vld.idx.msk [tilespmem:v20+s26+$0x0], $0xffff;
	[tilespmem:s22+$0x10000] =	vst v16  }
0x153: {  	_ =	sdelay $0x2  }
0x154: {  	[tilespmem:s14+$0xFFFFF820] =	vst v9  }
0x155: {  	s3 =	sadd.s32 $0x40, s16;
	v9 =	vld.idx.msk [tilespmem:v13+s26+$0x0], $0xffff;
	[tilespmem:s14+$0xFFFFF800] =	vst v10  }
0x156: {  	v0 =	vadd.s32 $0x1800, v0;
	s3 =	sand.u32 $0x7C0, s3;
	[tilespmem:s14+$0xFFFFF810] =	vst v11;
	v3 =	vld.idx.msk [tilespmem:v3+s26+$0x0], $0xffff  }
0x157: {  	[tilespmem:s3+$0xF000] =	vst v12;
	v4 =	vld.idx.msk [tilespmem:v4+s26+$0x0], $0xffff  }
0x158: {  	v6 =	vld.idx.msk [tilespmem:v6+s26+$0x0], $0xffff;
	_ =	sdelay $0x1  }
0x159: {  	[tilespmem:s14+$0x20] =	vst v9  }
0x15a: {  	v0 =	vld.idx.msk [tilespmem:v0+s26+$0x0], $0xffff;
	[tilespmem:s14+$0x0] =	vst v3  }
0x15b: {  	[tilespmem:s14+$0x10] =	vst v4;
	v1 =	vld.idx.msk [tilespmem:v1+s26+$0x0], $0xffff  }
0x15c: {  	[tilespmem:s3+$0xF800] =	vst v6;
	v2 =	vld.idx.msk [tilespmem:v2+s26+$0x0], $0xffff  }
0x15d: {  	[tilespmem:s6+$0x800] =	vst v7;
	v63 =	vld.idx.msk [tilespmem:v5+s26+$0x0], $0xffff  }
0x15e: {  	[tilespmem:s6+$0x810] =	vst v8  }
0x15f: {  	[tilespmem:s14+$0x820] =	vst v0  }
0x160: {  	[tilespmem:s14+$0x800] =	vst v1  }
0x161: {  	[tilespmem:s14+$0x810] =	vst v2  }
0x162: {  	[tilespmem:s3+$0x10000] =	vst v63  }
0x163: {  	s2 =	rddreg [dreg:$0xb]  }
0x164: {  	[hbm4b:s2+s4] =	stream.linear.scatter [tilespmem:s7], [sflag:$0x8], $0x2000, $0x38;
	[tilespmem:$0x10800] =	vst v63  }
0x165: {  	s16 =	simm.s32 $0x1  }
0x166: {  	[tilespmem:s26], [sflag:$0x4] =	stream.linear.gather [hbm4b:s17+s4], $0x2000, $0x38;
	[tilespmem:$0x10800] =	vst v63  }
.LBB2_10:
0x167: {  	_ =	swait.ge [sflag:s28], $0x2000  }
0x168: {  	[sflag:s28] =	ssyncset.done $0x0  }
0x169: {  	[sflag:s28] =	ssyncadd.s32 $0xFFFFE000  }
0x16a: {  	_ =	swait.ge [sflag:s8], $0x2000  }
0x16b: {  	[sflag:s8] =	ssyncset.done $0x0  }
0x16c: {  	s3 =	simm.s32 $0x20;
	[sflag:s8] =	ssyncadd.s32 $0xFFFFE000  }
0x16d: {  	v1 =	vld [tilespmem:s3+$0x10]  }
0x16e: {  	v2 =	vld [tilespmem:s3+$0xFFFFFFF0]  }
0x16f: {  	v3 =	vld [tilespmem:s3+$0x0]  }
0x170: {  	v4 =	vld [tilespmem:s3+$0xFFFFFFE0];
	_ =	sdelay $0x4  }
0x171: {  	v0 =	vld.idx.msk [tilespmem:v1+s23+$0x0], $0xffff  }
0x172: {  	v6 =	vadd.s32 $0x800, v1;
	v5 =	vld.idx.msk [tilespmem:v2+s23+$0x0], $0xffff  }
0x173: {  	v7 =	vadd.s32 $0x800, v2;
	v8 =	vld.idx.msk [tilespmem:v3+s23+$0x0], $0xffff  }
0x174: {  	s31 =	simm.s32 $0x60;
	v9 =	vadd.s32 $0x800, v3;
	v10 =	vld.idx.msk [tilespmem:v4+s23+$0x0], $0xffff  }
0x175: {  	s6 =	simm.s32 $0x9810;
	v13 =	vld [tilespmem:s31+$0x0];
	v11 =	vadd.s32 $0x800, v4  }
0x176: {  	v12 =	vld [tilespmem:s31+$0xFFFFFFF0];
	[tilespmem:s6+$0xFFFFF020] =	vst v0  }
0x177: {  	[tilespmem:s6+$0xFFFFF000] =	vst v5;
	v6 =	vld.idx.msk [tilespmem:v6+s23+$0x0], $0xffff  }
0x178: {  	[tilespmem:s6+$0xFFFFF010] =	vst v8;
	v5 =	vld.idx.msk [tilespmem:v7+s23+$0x0], $0xffff  }
0x179: {  	[tilespmem:s6+$0xFFFFEFF0] =	vst v10;
	v8 =	vld.idx.msk [tilespmem:v9+s23+$0x0], $0xffff  }
0x17a: {  	v7 =	vadd.s32 $0x1000, v1;
	v9 =	vld.idx.msk [tilespmem:v11+s23+$0x0], $0xffff  }
0x17b: {  	v11 =	vadd.s32 $0x1000, v4  }
0x17c: {  	v0 =	vld [tilespmem:s31+$0x10]  }
0x17d: {  	s21 =	simm.s32 $0x0;
	v15 =	vld.idx.msk [tilespmem:v13+s23+$0x0], $0xffff;
	[tilespmem:s6+$0xFFFFF820] =	vst v6  }
0x17e: {  	s29 =	sand.u32 $0x7C0, s21;
	v10 =	vadd.s32 $0x1000, v2;
	[tilespmem:s6+$0xFFFFF800] =	vst v5;
	v5 =	vld [tilespmem:s31+$0xFFFFFFE0]  }
0x17f: {  	[tilespmem:s29+$0x9000] =	vst v9;
	v7 =	vld.idx.msk [tilespmem:v7+s23+$0x0], $0xffff  }
0x180: {  	v6 =	vadd.s32 $0x1000, v3;
	[tilespmem:s6+$0xFFFFF810] =	vst v8;
	v8 =	vld.idx.msk [tilespmem:v11+s23+$0x0], $0xffff  }
0x181: {  	v18 =	vadd.s32 $0x800, v13;
	v11 =	vld.idx.msk [tilespmem:v12+s23+$0x0], $0xffff  }
0x182: {  	v1 =	vadd.s32 $0x1800, v1  }
0x183: {  	s14 =	simm.s32 $0x9850;
	v9 =	vld.idx.msk [tilespmem:v10+s23+$0x0], $0xffff  }
0x184: {  	[tilespmem:s14+$0xFFFFF010] =	vst v15;
	v4 =	vadd.s32 $0x1800, v4;
	v10 =	vld.idx.msk [tilespmem:v0+s23+$0x0], $0xffff  }
0x185: {  	v2 =	vadd.s32 $0x1800, v2;
	v6 =	vld.idx.msk [tilespmem:v6+s23+$0x0], $0xffff;
	[tilespmem:s6+$0x20] =	vst v7  }
0x186: {  	v14 =	vadd.s32 $0x800, v0;
	[tilespmem:s14+$0xFFFFF000] =	vst v11;
	v11 =	vld.idx.msk [tilespmem:v18+s23+$0x0], $0xffff  }
0x187: {  	v3 =	vadd.s32 $0x1800, v3;
	v1 =	vld.idx.msk [tilespmem:v1+s23+$0x0], $0xffff  }
0x188: {  	v16 =	vadd.s32 $0x800, v12;
	[tilespmem:s29+$0x9800] =	vst v8;
	v17 =	vld.idx.msk [tilespmem:v5+s23+$0x0], $0xffff  }
0x189: {  	v20 =	vadd.s32 $0x800, v5;
	[tilespmem:s6+$0x0] =	vst v9;
	v19 =	vld.idx.msk [tilespmem:v4+s23+$0x0], $0xffff  }
0x18a: {  	[tilespmem:s14+$0xFFFFF020] =	vst v10;
	v7 =	vld.idx.msk [tilespmem:v2+s23+$0x0], $0xffff  }
0x18b: {  	v9 =	vld.idx.msk [tilespmem:v14+s23+$0x0], $0xffff;
	[tilespmem:s6+$0x10] =	vst v6  }
0x18c: {  	v4 =	vadd.s32 $0x1000, v13;
	v2 =	vadd.s32 $0x1800, v13;
	v13 =	vadd.s32 $0x1000, v0;
	v8 =	vld.idx.msk [tilespmem:v3+s23+$0x0], $0xffff;
	[tilespmem:s6+$0x820] =	vst v1  }
0x18d: {  	v10 =	vld.idx.msk [tilespmem:v16+s23+$0x0], $0xffff;
	v6 =	vadd.s32 $0x1000, v5;
	[tilespmem:s14+$0xFFFFEFF0] =	vst v17  }
0x18e: {  	s22 =	simm.s32 $0xA0;
	s3 =	simm.s32 $0x4;
	v5 =	vadd.s32 $0x1800, v5;
	v3 =	vadd.s32 $0x1000, v12;
	v1 =	vadd.s32 $0x1800, v12;
	[tilespmem:s29+$0xA000] =	vst v19;
	v12 =	vld.idx.msk [tilespmem:v20+s23+$0x0], $0xffff  }
.LBB2_11:
0x18f: {  	v14 =	vld [tilespmem:s22+$0x10];
	s3 =	sadd.s32 $0x4, s3;
	[tilespmem:s6+$0x800] =	vst v7  }
0x190: {  	v7 =	vld [tilespmem:s22+$0xFFFFFFF0];
	p0 =	slt.u32 s3, $0x7C;
	[tilespmem:s14+$0xFFFFF820] =	vst v9  }
0x191: {  	v9 =	vld.idx.msk [tilespmem:v13+s23+$0x0], $0xffff;
	[tilespmem:s6+$0x810] =	vst v8;
	s6 =	smov.u32 s14  }
0x192: {  	s21 =	sadd.s32 $0x40, s21;
	v8 =	vld [tilespmem:s22+$0x0];
	[tilespmem:s14+$0xFFFFF800] =	vst v10  }
0x193: {  	s29 =	sand.u32 $0x7C0, s21;
	v10 =	vld [tilespmem:s22+$0xFFFFFFE0];
	[tilespmem:s14+$0xFFFFF810] =	vst v11;
	v11 =	vadd.s32 $0x1800, v0  }
0x194: {  	[tilespmem:s29+$0x9000] =	vst v12;
	v12 =	vld.idx.msk [tilespmem:v3+s23+$0x0], $0xffff;
	v0 =	vmov v14  }
0x195: {  	v13 =	vadd.s32 $0x800, v7;
	v3 =	vadd.s32 $0x1000, v7;
	v15 =	vadd.s32 $0x1800, v7;
	v16 =	vld.idx.msk [tilespmem:v6+s23+$0x0], $0xffff  }
0x196: {  	v17 =	vld.idx.msk [tilespmem:v4+s23+$0x0], $0xffff  }
0x197: {  	v18 =	vadd.s32 $0x800, v8;
	v4 =	vadd.s32 $0x1000, v8;
	v19 =	vadd.s32 $0x1800, v8;
	v14 =	vld.idx.msk [tilespmem:v14+s23+$0x0], $0xffff;
	[tilespmem:s14+$0x20] =	vst v9  }
0x198: {  	v20 =	vadd.s32 $0x800, v10;
	v6 =	vadd.s32 $0x1000, v10;
	v9 =	vadd.s32 $0x1800, v10;
	v11 =	vld.idx.msk [tilespmem:v11+s23+$0x0], $0xffff  }
0x199: {  	v22 =	vadd.s32 $0x800, v0;
	v21 =	vld.idx.msk [tilespmem:v7+s23+$0x0], $0xffff  }
0x19a: {  	v23 =	vld.idx.msk [tilespmem:v8+s23+$0x0], $0xffff;
	[tilespmem:s14+$0x0] =	vst v12  }
0x19b: {  	v12 =	vld.idx.msk [tilespmem:v10+s23+$0x0], $0xffff;
	[tilespmem:s29+$0x9800] =	vst v16  }
0x19c: {  	s14 =	sadd.s32 $0x40, s14;
	v16 =	vld.idx.msk [tilespmem:v5+s23+$0x0], $0xffff;
	[tilespmem:s6+$0x10] =	vst v17;
	v5 =	vmov v9  }
0x19d: {  	[tilespmem:s14+$0xFFFFF020] =	vst v14;
	v7 =	vld.idx.msk [tilespmem:v1+s23+$0x0], $0xffff;
	v1 =	vmov v15  }
.Ltmp6:
0x19e: {  	v9 =	vld.idx.msk [tilespmem:v22+s23+$0x0], $0xffff;
	[tilespmem:s6+$0x820] =	vst v11;
	(pc) =	sbr.rel @p0 .LBB2_11-.Ltmp6, $4  }
0x19f: {  	[tilespmem:s14+$0xFFFFF000] =	vst v21;
	v8 =	vld.idx.msk [tilespmem:v2+s23+$0x0], $0xffff;
	v2 =	vmov v19  }
0x1a0: {  	v10 =	vld.idx.msk [tilespmem:v13+s23+$0x0], $0xffff;
	[tilespmem:s14+$0xFFFFF010] =	vst v23;
	v13 =	vadd.s32 $0x1000, v0  }
0x1a1: {  	[tilespmem:s14+$0xFFFFEFF0] =	vst v12;
	v11 =	vld.idx.msk [tilespmem:v18+s23+$0x0], $0xffff  }
0x1a2: {  	s22 =	sadd.s32 $0x40, s22;
	v12 =	vld.idx.msk [tilespmem:v20+s23+$0x0], $0xffff;
	[tilespmem:s29+$0xA000] =	vst v16  }
0x1a3: {  	_ =	sdelay $0x2  }
0x1a4: {  	[tilespmem:s14+$0xFFFFF820] =	vst v9  }
0x1a5: {  	s3 =	sadd.s32 $0x40, s21;
	v9 =	vld.idx.msk [tilespmem:v13+s23+$0x0], $0xffff;
	[tilespmem:s14+$0xFFFFF800] =	vst v10  }
0x1a6: {  	v0 =	vadd.s32 $0x1800, v0;
	s3 =	sand.u32 $0x7C0, s3;
	[tilespmem:s14+$0xFFFFF810] =	vst v11;
	v3 =	vld.idx.msk [tilespmem:v3+s23+$0x0], $0xffff  }
0x1a7: {  	[tilespmem:s3+$0x9000] =	vst v12;
	v4 =	vld.idx.msk [tilespmem:v4+s23+$0x0], $0xffff  }
0x1a8: {  	v6 =	vld.idx.msk [tilespmem:v6+s23+$0x0], $0xffff;
	_ =	sdelay $0x1  }
0x1a9: {  	[tilespmem:s14+$0x20] =	vst v9  }
0x1aa: {  	v0 =	vld.idx.msk [tilespmem:v0+s23+$0x0], $0xffff;
	[tilespmem:s14+$0x0] =	vst v3  }
0x1ab: {  	[tilespmem:s14+$0x10] =	vst v4;
	v1 =	vld.idx.msk [tilespmem:v1+s23+$0x0], $0xffff  }
0x1ac: {  	[tilespmem:s3+$0x9800] =	vst v6;
	v2 =	vld.idx.msk [tilespmem:v2+s23+$0x0], $0xffff  }
0x1ad: {  	[tilespmem:s6+$0x800] =	vst v7;
	v3 =	vld.idx.msk [tilespmem:v5+s23+$0x0], $0xffff  }
0x1ae: {  	[tilespmem:s6+$0x810] =	vst v8  }
0x1af: {  	[tilespmem:s14+$0x820] =	vst v0  }
0x1b0: {  	s21 =	sshll.u32 s16, $0x11;
	[tilespmem:s14+$0x800] =	vst v1  }
0x1b1: {  	s2 =	rddreg [dreg:$0x2];
	s6 =	sor.u32 s5, s21;
	[tilespmem:s14+$0x810] =	vst v2  }
0x1b2: {  	p0 =	seq.s32 s16, $0x1F;
	s2 =	sadd.s32 s2, s6;
	s14 =	simm.s32 $0x8800;
	[tilespmem:s3+$0xA000] =	vst v3  }
0x1b3: {  	[hbm4b:s2+s4] =	stream.linear.scatter [tilespmem:s14], [sflag:$0x5], $0x2000, $0x38;
	[tilespmem:$0x10800] =	vst v63  }
0x1b4: {  	s22 =	simm.s32 @!p0 $0x800;
	s3 =	sadd.s32 @!p0 s21, s11;
	s14 =	simm.s32 @!p0 $0x0  }
0x1b5: {  	[tilespmem:s22], [sflag:$0x1] =	stream.linear.gather @!p0 [hbm4b:s3+s14], $0x2000, $0x38;
	[tilespmem:$0x10800] =	vst v63  }
0x1b6: {  	_ =	swait.ge [sflag:s30], $0x2000  }
0x1b7: {  	[sflag:s30] =	ssyncset.done $0x0  }
0x1b8: {  	[sflag:s30] =	ssyncadd.s32 $0xFFFFE000  }
0x1b9: {  	_ =	swait.ge [sflag:s9], $0x2000  }
0x1ba: {  	[sflag:s9] =	ssyncset.done $0x0  }
0x1bb: {  	s22 =	simm.s32 $0x20;
	[sflag:s9] =	ssyncadd.s32 $0xFFFFE000  }
0x1bc: {  	v1 =	vld [tilespmem:s22+$0x10]  }
0x1bd: {  	v2 =	vld [tilespmem:s22+$0xFFFFFFF0]  }
0x1be: {  	v3 =	vld [tilespmem:s22+$0x0]  }
0x1bf: {  	v4 =	vld [tilespmem:s22+$0xFFFFFFE0];
	_ =	sdelay $0x2  }
0x1c0: {  	s2 =	simm.s32 $0x60  }
0x1c1: {  	v13 =	vld [tilespmem:s2+$0x0]  }
0x1c2: {  	v0 =	vld.idx.msk [tilespmem:v1+s24+$0x0], $0xffff  }
0x1c3: {  	v6 =	vadd.s32 $0x800, v1;
	v5 =	vld.idx.msk [tilespmem:v2+s24+$0x0], $0xffff  }
0x1c4: {  	v7 =	vadd.s32 $0x800, v2;
	v8 =	vld.idx.msk [tilespmem:v3+s24+$0x0], $0xffff  }
0x1c5: {  	v9 =	vadd.s32 $0x800, v3;
	v10 =	vld.idx.msk [tilespmem:v4+s24+$0x0], $0xffff  }
0x1c6: {  	s22 =	simm.s32 $0xB810;
	v12 =	vld [tilespmem:s2+$0xFFFFFFF0];
	v11 =	vadd.s32 $0x800, v4  }
0x1c7: {  	[tilespmem:s22+$0xFFFFF020] =	vst v0;
	v0 =	vld [tilespmem:s2+$0x10]  }
0x1c8: {  	[tilespmem:s22+$0xFFFFF000] =	vst v5;
	v6 =	vld.idx.msk [tilespmem:v6+s24+$0x0], $0xffff  }
0x1c9: {  	[tilespmem:s22+$0xFFFFF010] =	vst v8;
	v5 =	vld.idx.msk [tilespmem:v7+s24+$0x0], $0xffff  }
0x1ca: {  	[tilespmem:s22+$0xFFFFEFF0] =	vst v10;
	v7 =	vadd.s32 $0x1000, v1;
	v8 =	vld.idx.msk [tilespmem:v9+s24+$0x0], $0xffff  }
0x1cb: {  	v10 =	vadd.s32 $0x1000, v2;
	v9 =	vld.idx.msk [tilespmem:v11+s24+$0x0], $0xffff  }
0x1cc: {  	v11 =	vadd.s32 $0x1000, v4  }
0x1cd: {  	v15 =	vld.idx.msk [tilespmem:v13+s24+$0x0], $0xffff;
	[tilespmem:s22+$0xFFFFF820] =	vst v6  }
0x1ce: {  	s14 =	simm.s32 $0x0;
	[tilespmem:s22+$0xFFFFF800] =	vst v5;
	v5 =	vld [tilespmem:s2+$0xFFFFFFE0]  }
0x1cf: {  	v6 =	vadd.s32 $0x1000, v3;
	s2 =	sand.u32 $0x7C0, s14;
	v7 =	vld.idx.msk [tilespmem:v7+s24+$0x0], $0xffff  }
0x1d0: {  	v1 =	vadd.s32 $0x1800, v1;
	[tilespmem:s2+$0xB000] =	vst v9;
	v9 =	vld.idx.msk [tilespmem:v10+s24+$0x0], $0xffff  }
0x1d1: {  	v2 =	vadd.s32 $0x1800, v2;
	[tilespmem:s22+$0xFFFFF810] =	vst v8;
	v8 =	vld.idx.msk [tilespmem:v11+s24+$0x0], $0xffff  }
0x1d2: {  	v10 =	vld.idx.msk [tilespmem:v0+s24+$0x0], $0xffff  }
0x1d3: {  	v4 =	vadd.s32 $0x1800, v4;
	v11 =	vld.idx.msk [tilespmem:v12+s24+$0x0], $0xffff  }
0x1d4: {  	v18 =	vadd.s32 $0x800, v13;
	v6 =	vld.idx.msk [tilespmem:v6+s24+$0x0], $0xffff;
	[tilespmem:s22+$0x20] =	vst v7  }
0x1d5: {  	s3 =	simm.s32 $0xB850;
	v14 =	vadd.s32 $0x800, v0;
	[tilespmem:s22+$0x0] =	vst v9;
	v1 =	vld.idx.msk [tilespmem:v1+s24+$0x0], $0xffff  }
0x1d6: {  	[tilespmem:s3+$0xFFFFF010] =	vst v15;
	v3 =	vadd.s32 $0x1800, v3;
	v7 =	vld.idx.msk [tilespmem:v2+s24+$0x0], $0xffff  }
0x1d7: {  	v16 =	vadd.s32 $0x800, v12;
	[tilespmem:s2+$0xB800] =	vst v8;
	v17 =	vld.idx.msk [tilespmem:v5+s24+$0x0], $0xffff  }
0x1d8: {  	v20 =	vadd.s32 $0x800, v5;
	[tilespmem:s3+$0xFFFFF020] =	vst v10;
	v19 =	vld.idx.msk [tilespmem:v4+s24+$0x0], $0xffff  }
0x1d9: {  	[tilespmem:s3+$0xFFFFF000] =	vst v11;
	v11 =	vld.idx.msk [tilespmem:v18+s24+$0x0], $0xffff  }
0x1da: {  	v9 =	vld.idx.msk [tilespmem:v14+s24+$0x0], $0xffff;
	[tilespmem:s22+$0x10] =	vst v6  }
0x1db: {  	v2 =	vadd.s32 $0x1800, v13;
	v4 =	vadd.s32 $0x1000, v13;
	v13 =	vadd.s32 $0x1000, v0;
	v8 =	vld.idx.msk [tilespmem:v3+s24+$0x0], $0xffff;
	[tilespmem:s22+$0x820] =	vst v1  }
0x1dc: {  	v10 =	vld.idx.msk [tilespmem:v16+s24+$0x0], $0xffff;
	v6 =	vadd.s32 $0x1000, v5;
	[tilespmem:s3+$0xFFFFEFF0] =	vst v17  }
0x1dd: {  	s29 =	simm.s32 $0x4;
	s31 =	simm.s32 $0xA0;
	v5 =	vadd.s32 $0x1800, v5;
	v3 =	vadd.s32 $0x1000, v12;
	v1 =	vadd.s32 $0x1800, v12;
	[tilespmem:s2+$0xC000] =	vst v19;
	v12 =	vld.idx.msk [tilespmem:v20+s24+$0x0], $0xffff  }
.LBB2_13:
0x1de: {  	v14 =	vld [tilespmem:s31+$0x10];
	s29 =	sadd.s32 $0x4, s29;
	[tilespmem:s22+$0x800] =	vst v7  }
0x1df: {  	v7 =	vld [tilespmem:s31+$0xFFFFFFF0];
	p1 =	slt.u32 s29, $0x7C;
	[tilespmem:s3+$0xFFFFF820] =	vst v9  }
0x1e0: {  	v9 =	vld.idx.msk [tilespmem:v13+s24+$0x0], $0xffff;
	[tilespmem:s22+$0x810] =	vst v8;
	s22 =	smov.u32 s3  }
0x1e1: {  	s14 =	sadd.s32 $0x40, s14;
	v8 =	vld [tilespmem:s31+$0x0];
	[tilespmem:s3+$0xFFFFF800] =	vst v10  }
0x1e2: {  	s2 =	sand.u32 $0x7C0, s14;
	v10 =	vld [tilespmem:s31+$0xFFFFFFE0];
	[tilespmem:s3+$0xFFFFF810] =	vst v11;
	v11 =	vadd.s32 $0x1800, v0  }
0x1e3: {  	[tilespmem:s2+$0xB000] =	vst v12;
	v12 =	vld.idx.msk [tilespmem:v3+s24+$0x0], $0xffff;
	v0 =	vmov v14  }
0x1e4: {  	v13 =	vadd.s32 $0x800, v7;
	v3 =	vadd.s32 $0x1000, v7;
	v15 =	vadd.s32 $0x1800, v7;
	v16 =	vld.idx.msk [tilespmem:v6+s24+$0x0], $0xffff  }
0x1e5: {  	v17 =	vld.idx.msk [tilespmem:v4+s24+$0x0], $0xffff  }
0x1e6: {  	v18 =	vadd.s32 $0x800, v8;
	v4 =	vadd.s32 $0x1000, v8;
	v19 =	vadd.s32 $0x1800, v8;
	v14 =	vld.idx.msk [tilespmem:v14+s24+$0x0], $0xffff;
	[tilespmem:s3+$0x20] =	vst v9  }
0x1e7: {  	v20 =	vadd.s32 $0x800, v10;
	v6 =	vadd.s32 $0x1000, v10;
	v9 =	vadd.s32 $0x1800, v10;
	v11 =	vld.idx.msk [tilespmem:v11+s24+$0x0], $0xffff  }
0x1e8: {  	v22 =	vadd.s32 $0x800, v0;
	v21 =	vld.idx.msk [tilespmem:v7+s24+$0x0], $0xffff  }
0x1e9: {  	v23 =	vld.idx.msk [tilespmem:v8+s24+$0x0], $0xffff;
	[tilespmem:s3+$0x0] =	vst v12  }
0x1ea: {  	v12 =	vld.idx.msk [tilespmem:v10+s24+$0x0], $0xffff;
	[tilespmem:s2+$0xB800] =	vst v16  }
0x1eb: {  	s3 =	sadd.s32 $0x40, s3;
	v16 =	vld.idx.msk [tilespmem:v5+s24+$0x0], $0xffff;
	[tilespmem:s22+$0x10] =	vst v17;
	v5 =	vmov v9  }
0x1ec: {  	[tilespmem:s3+$0xFFFFF020] =	vst v14;
	v7 =	vld.idx.msk [tilespmem:v1+s24+$0x0], $0xffff;
	v1 =	vmov v15  }
.Ltmp7:
0x1ed: {  	v9 =	vld.idx.msk [tilespmem:v22+s24+$0x0], $0xffff;
	[tilespmem:s22+$0x820] =	vst v11;
	(pc) =	sbr.rel @p1 .LBB2_13-.Ltmp7, $4  }
0x1ee: {  	[tilespmem:s3+$0xFFFFF000] =	vst v21;
	v8 =	vld.idx.msk [tilespmem:v2+s24+$0x0], $0xffff;
	v2 =	vmov v19  }
0x1ef: {  	v10 =	vld.idx.msk [tilespmem:v13+s24+$0x0], $0xffff;
	[tilespmem:s3+$0xFFFFF010] =	vst v23;
	v13 =	vadd.s32 $0x1000, v0  }
0x1f0: {  	[tilespmem:s3+$0xFFFFEFF0] =	vst v12;
	v11 =	vld.idx.msk [tilespmem:v18+s24+$0x0], $0xffff  }
0x1f1: {  	s31 =	sadd.s32 $0x40, s31;
	v12 =	vld.idx.msk [tilespmem:v20+s24+$0x0], $0xffff;
	[tilespmem:s2+$0xC000] =	vst v16  }
0x1f2: {  	_ =	sdelay $0x2  }
0x1f3: {  	[tilespmem:s3+$0xFFFFF820] =	vst v9  }
0x1f4: {  	s2 =	sadd.s32 $0x40, s14;
	v9 =	vld.idx.msk [tilespmem:v13+s24+$0x0], $0xffff;
	[tilespmem:s3+$0xFFFFF800] =	vst v10  }
0x1f5: {  	v0 =	vadd.s32 $0x1800, v0;
	s2 =	sand.u32 $0x7C0, s2;
	[tilespmem:s3+$0xFFFFF810] =	vst v11;
	v3 =	vld.idx.msk [tilespmem:v3+s24+$0x0], $0xffff  }
0x1f6: {  	[tilespmem:s2+$0xB000] =	vst v12;
	v4 =	vld.idx.msk [tilespmem:v4+s24+$0x0], $0xffff  }
0x1f7: {  	v6 =	vld.idx.msk [tilespmem:v6+s24+$0x0], $0xffff;
	_ =	sdelay $0x1  }
0x1f8: {  	[tilespmem:s3+$0x20] =	vst v9  }
0x1f9: {  	v0 =	vld.idx.msk [tilespmem:v0+s24+$0x0], $0xffff;
	[tilespmem:s3+$0x0] =	vst v3  }
0x1fa: {  	[tilespmem:s3+$0x10] =	vst v4;
	v1 =	vld.idx.msk [tilespmem:v1+s24+$0x0], $0xffff  }
0x1fb: {  	[tilespmem:s2+$0xB800] =	vst v6;
	v2 =	vld.idx.msk [tilespmem:v2+s24+$0x0], $0xffff  }
0x1fc: {  	[tilespmem:s22+$0x800] =	vst v7;
	v3 =	vld.idx.msk [tilespmem:v5+s24+$0x0], $0xffff  }
0x1fd: {  	[tilespmem:s22+$0x810] =	vst v8  }
0x1fe: {  	[tilespmem:s3+$0x820] =	vst v0  }
0x1ff: {  	[tilespmem:s3+$0x800] =	vst v1  }
0x200: {  	[tilespmem:s3+$0x810] =	vst v2  }
0x201: {  	s14 =	simm.s32 $0xA800;
	s3 =	sadd.s32 s6, s18;
	[tilespmem:s2+$0xC000] =	vst v3  }
0x202: {  	[hbm4b:s3+s4] =	stream.linear.scatter [tilespmem:s14], [sflag:$0x6], $0x2000, $0x38;
	[tilespmem:$0x10800] =	vst v63  }
0x203: {  	s2 =	sadd.s32 @!p0 s21, s13;
	s3 =	simm.s32 @!p0 $0x0;
	s14 =	simm.s32 @!p0 $0x2800  }
0x204: {  	[tilespmem:s14], [sflag:$0x2] =	stream.linear.gather @!p0 [hbm4b:s2+s3], $0x2000, $0x38;
	[tilespmem:$0x10800] =	vst v63  }
0x205: {  	_ =	swait.ge [sflag:s0], $0x2000  }
0x206: {  	[sflag:s0] =	ssyncset.done $0x0  }
0x207: {  	[sflag:s0] =	ssyncadd.s32 $0xFFFFE000  }
0x208: {  	_ =	swait.ge [sflag:s10], $0x2000  }
0x209: {  	[sflag:s10] =	ssyncset.done $0x0  }
0x20a: {  	s22 =	simm.s32 $0x20;
	[sflag:s10] =	ssyncadd.s32 $0xFFFFE000  }
0x20b: {  	v1 =	vld [tilespmem:s22+$0x10]  }
0x20c: {  	v2 =	vld [tilespmem:s22+$0xFFFFFFF0]  }
0x20d: {  	v3 =	vld [tilespmem:s22+$0x0]  }
0x20e: {  	v4 =	vld [tilespmem:s22+$0xFFFFFFE0];
	_ =	sdelay $0x4  }
0x20f: {  	v0 =	vld.idx.msk [tilespmem:v1+s25+$0x0], $0xffff  }
0x210: {  	v6 =	vadd.s32 $0x800, v1;
	v5 =	vld.idx.msk [tilespmem:v2+s25+$0x0], $0xffff  }
0x211: {  	v7 =	vadd.s32 $0x800, v2;
	v8 =	vld.idx.msk [tilespmem:v3+s25+$0x0], $0xffff  }
0x212: {  	s3 =	simm.s32 $0x60;
	v9 =	vadd.s32 $0x800, v3;
	v10 =	vld.idx.msk [tilespmem:v4+s25+$0x0], $0xffff  }
0x213: {  	s22 =	simm.s32 $0xD810;
	v13 =	vld [tilespmem:s3+$0x0];
	v11 =	vadd.s32 $0x800, v4  }
0x214: {  	v12 =	vld [tilespmem:s3+$0xFFFFFFF0];
	[tilespmem:s22+$0xFFFFF020] =	vst v0  }
0x215: {  	[tilespmem:s22+$0xFFFFF000] =	vst v5;
	v6 =	vld.idx.msk [tilespmem:v6+s25+$0x0], $0xffff  }
0x216: {  	[tilespmem:s22+$0xFFFFF010] =	vst v8;
	v5 =	vld.idx.msk [tilespmem:v7+s25+$0x0], $0xffff  }
0x217: {  	[tilespmem:s22+$0xFFFFEFF0] =	vst v10;
	v8 =	vld.idx.msk [tilespmem:v9+s25+$0x0], $0xffff  }
0x218: {  	v7 =	vadd.s32 $0x1000, v1;
	v9 =	vld.idx.msk [tilespmem:v11+s25+$0x0], $0xffff  }
0x219: {  	v11 =	vadd.s32 $0x1000, v4  }
0x21a: {  	v0 =	vld [tilespmem:s3+$0x10]  }
0x21b: {  	s14 =	simm.s32 $0x0;
	v15 =	vld.idx.msk [tilespmem:v13+s25+$0x0], $0xffff;
	[tilespmem:s22+$0xFFFFF820] =	vst v6  }
0x21c: {  	s2 =	sand.u32 $0x7C0, s14;
	v10 =	vadd.s32 $0x1000, v2;
	[tilespmem:s22+$0xFFFFF800] =	vst v5;
	v5 =	vld [tilespmem:s3+$0xFFFFFFE0]  }
0x21d: {  	[tilespmem:s2+$0xD000] =	vst v9;
	v7 =	vld.idx.msk [tilespmem:v7+s25+$0x0], $0xffff  }
0x21e: {  	v6 =	vadd.s32 $0x1000, v3;
	[tilespmem:s22+$0xFFFFF810] =	vst v8;
	v8 =	vld.idx.msk [tilespmem:v11+s25+$0x0], $0xffff  }
0x21f: {  	v18 =	vadd.s32 $0x800, v13;
	v11 =	vld.idx.msk [tilespmem:v12+s25+$0x0], $0xffff  }
0x220: {  	v1 =	vadd.s32 $0x1800, v1  }
0x221: {  	s3 =	simm.s32 $0xD850;
	v9 =	vld.idx.msk [tilespmem:v10+s25+$0x0], $0xffff  }
0x222: {  	v4 =	vadd.s32 $0x1800, v4;
	[tilespmem:s3+$0xFFFFF010] =	vst v15;
	v10 =	vld.idx.msk [tilespmem:v0+s25+$0x0], $0xffff  }
0x223: {  	v2 =	vadd.s32 $0x1800, v2;
	v6 =	vld.idx.msk [tilespmem:v6+s25+$0x0], $0xffff;
	[tilespmem:s22+$0x20] =	vst v7  }
0x224: {  	v14 =	vadd.s32 $0x800, v0;
	[tilespmem:s3+$0xFFFFF000] =	vst v11;
	v11 =	vld.idx.msk [tilespmem:v18+s25+$0x0], $0xffff  }
0x225: {  	v3 =	vadd.s32 $0x1800, v3;
	v1 =	vld.idx.msk [tilespmem:v1+s25+$0x0], $0xffff  }
0x226: {  	v16 =	vadd.s32 $0x800, v12;
	[tilespmem:s2+$0xD800] =	vst v8;
	v17 =	vld.idx.msk [tilespmem:v5+s25+$0x0], $0xffff  }
0x227: {  	v20 =	vadd.s32 $0x800, v5;
	[tilespmem:s22+$0x0] =	vst v9;
	v19 =	vld.idx.msk [tilespmem:v4+s25+$0x0], $0xffff  }
0x228: {  	[tilespmem:s3+$0xFFFFF020] =	vst v10;
	v7 =	vld.idx.msk [tilespmem:v2+s25+$0x0], $0xffff  }
0x229: {  	v9 =	vld.idx.msk [tilespmem:v14+s25+$0x0], $0xffff;
	[tilespmem:s22+$0x10] =	vst v6  }
0x22a: {  	v4 =	vadd.s32 $0x1000, v13;
	v2 =	vadd.s32 $0x1800, v13;
	v13 =	vadd.s32 $0x1000, v0;
	v8 =	vld.idx.msk [tilespmem:v3+s25+$0x0], $0xffff;
	[tilespmem:s22+$0x820] =	vst v1  }
0x22b: {  	v10 =	vld.idx.msk [tilespmem:v16+s25+$0x0], $0xffff;
	v6 =	vadd.s32 $0x1000, v5;
	[tilespmem:s3+$0xFFFFEFF0] =	vst v17  }
0x22c: {  	s29 =	simm.s32 $0x4;
	s31 =	simm.s32 $0xA0;
	v5 =	vadd.s32 $0x1800, v5;
	v3 =	vadd.s32 $0x1000, v12;
	v1 =	vadd.s32 $0x1800, v12;
	[tilespmem:s2+$0xE000] =	vst v19;
	v12 =	vld.idx.msk [tilespmem:v20+s25+$0x0], $0xffff  }
.LBB2_15:
0x22d: {  	v14 =	vld [tilespmem:s31+$0x10];
	s29 =	sadd.s32 $0x4, s29;
	[tilespmem:s22+$0x800] =	vst v7  }
0x22e: {  	v7 =	vld [tilespmem:s31+$0xFFFFFFF0];
	p1 =	slt.u32 s29, $0x7C;
	[tilespmem:s3+$0xFFFFF820] =	vst v9  }
0x22f: {  	v9 =	vld.idx.msk [tilespmem:v13+s25+$0x0], $0xffff;
	[tilespmem:s22+$0x810] =	vst v8;
	s22 =	smov.u32 s3  }
0x230: {  	s14 =	sadd.s32 $0x40, s14;
	v8 =	vld [tilespmem:s31+$0x0];
	[tilespmem:s3+$0xFFFFF800] =	vst v10  }
0x231: {  	s2 =	sand.u32 $0x7C0, s14;
	v10 =	vld [tilespmem:s31+$0xFFFFFFE0];
	[tilespmem:s3+$0xFFFFF810] =	vst v11;
	v11 =	vadd.s32 $0x1800, v0  }
0x232: {  	[tilespmem:s2+$0xD000] =	vst v12;
	v12 =	vld.idx.msk [tilespmem:v3+s25+$0x0], $0xffff;
	v0 =	vmov v14  }
0x233: {  	v13 =	vadd.s32 $0x800, v7;
	v3 =	vadd.s32 $0x1000, v7;
	v15 =	vadd.s32 $0x1800, v7;
	v16 =	vld.idx.msk [tilespmem:v6+s25+$0x0], $0xffff  }
0x234: {  	v17 =	vld.idx.msk [tilespmem:v4+s25+$0x0], $0xffff  }
0x235: {  	v18 =	vadd.s32 $0x800, v8;
	v4 =	vadd.s32 $0x1000, v8;
	v19 =	vadd.s32 $0x1800, v8;
	v14 =	vld.idx.msk [tilespmem:v14+s25+$0x0], $0xffff;
	[tilespmem:s3+$0x20] =	vst v9  }
0x236: {  	v20 =	vadd.s32 $0x800, v10;
	v6 =	vadd.s32 $0x1000, v10;
	v9 =	vadd.s32 $0x1800, v10;
	v11 =	vld.idx.msk [tilespmem:v11+s25+$0x0], $0xffff  }
0x237: {  	v22 =	vadd.s32 $0x800, v0;
	v21 =	vld.idx.msk [tilespmem:v7+s25+$0x0], $0xffff  }
0x238: {  	v23 =	vld.idx.msk [tilespmem:v8+s25+$0x0], $0xffff;
	[tilespmem:s3+$0x0] =	vst v12  }
0x239: {  	v12 =	vld.idx.msk [tilespmem:v10+s25+$0x0], $0xffff;
	[tilespmem:s2+$0xD800] =	vst v16  }
0x23a: {  	s3 =	sadd.s32 $0x40, s3;
	v16 =	vld.idx.msk [tilespmem:v5+s25+$0x0], $0xffff;
	[tilespmem:s22+$0x10] =	vst v17;
	v5 =	vmov v9  }
0x23b: {  	[tilespmem:s3+$0xFFFFF020] =	vst v14;
	v7 =	vld.idx.msk [tilespmem:v1+s25+$0x0], $0xffff;
	v1 =	vmov v15  }
.Ltmp8:
0x23c: {  	v9 =	vld.idx.msk [tilespmem:v22+s25+$0x0], $0xffff;
	[tilespmem:s22+$0x820] =	vst v11;
	(pc) =	sbr.rel @p1 .LBB2_15-.Ltmp8, $4  }
0x23d: {  	[tilespmem:s3+$0xFFFFF000] =	vst v21;
	v8 =	vld.idx.msk [tilespmem:v2+s25+$0x0], $0xffff;
	v2 =	vmov v19  }
0x23e: {  	v10 =	vld.idx.msk [tilespmem:v13+s25+$0x0], $0xffff;
	[tilespmem:s3+$0xFFFFF010] =	vst v23;
	v13 =	vadd.s32 $0x1000, v0  }
0x23f: {  	[tilespmem:s3+$0xFFFFEFF0] =	vst v12;
	v11 =	vld.idx.msk [tilespmem:v18+s25+$0x0], $0xffff  }
0x240: {  	s31 =	sadd.s32 $0x40, s31;
	v12 =	vld.idx.msk [tilespmem:v20+s25+$0x0], $0xffff;
	[tilespmem:s2+$0xE000] =	vst v16  }
0x241: {  	_ =	sdelay $0x2  }
0x242: {  	[tilespmem:s3+$0xFFFFF820] =	vst v9  }
0x243: {  	s2 =	sadd.s32 $0x40, s14;
	v9 =	vld.idx.msk [tilespmem:v13+s25+$0x0], $0xffff;
	[tilespmem:s3+$0xFFFFF800] =	vst v10  }
0x244: {  	v0 =	vadd.s32 $0x1800, v0;
	s2 =	sand.u32 $0x7C0, s2;
	[tilespmem:s3+$0xFFFFF810] =	vst v11;
	v3 =	vld.idx.msk [tilespmem:v3+s25+$0x0], $0xffff  }
0x245: {  	[tilespmem:s2+$0xD000] =	vst v12;
	v4 =	vld.idx.msk [tilespmem:v4+s25+$0x0], $0xffff  }
0x246: {  	v6 =	vld.idx.msk [tilespmem:v6+s25+$0x0], $0xffff;
	_ =	sdelay $0x1  }
0x247: {  	[tilespmem:s3+$0x20] =	vst v9  }
0x248: {  	v0 =	vld.idx.msk [tilespmem:v0+s25+$0x0], $0xffff;
	[tilespmem:s3+$0x0] =	vst v3  }
0x249: {  	[tilespmem:s3+$0x10] =	vst v4;
	v1 =	vld.idx.msk [tilespmem:v1+s25+$0x0], $0xffff  }
0x24a: {  	[tilespmem:s2+$0xD800] =	vst v6;
	v2 =	vld.idx.msk [tilespmem:v2+s25+$0x0], $0xffff  }
0x24b: {  	[tilespmem:s22+$0x800] =	vst v7;
	v3 =	vld.idx.msk [tilespmem:v5+s25+$0x0], $0xffff  }
0x24c: {  	[tilespmem:s22+$0x810] =	vst v8  }
0x24d: {  	[tilespmem:s3+$0x820] =	vst v0  }
0x24e: {  	[tilespmem:s3+$0x800] =	vst v1  }
0x24f: {  	[tilespmem:s3+$0x810] =	vst v2  }
0x250: {  	s14 =	simm.s32 $0xC800;
	s3 =	sadd.s32 s6, s19;
	[tilespmem:s2+$0xE000] =	vst v3  }
0x251: {  	[hbm4b:s3+s4] =	stream.linear.scatter [tilespmem:s14], [sflag:$0x7], $0x2000, $0x38;
	[tilespmem:$0x10800] =	vst v63  }
0x252: {  	s2 =	sadd.s32 @!p0 s21, s15;
	s3 =	simm.s32 @!p0 $0x0;
	s14 =	simm.s32 @!p0 $0x4800  }
0x253: {  	[tilespmem:s14], [sflag:$0x3] =	stream.linear.gather @!p0 [hbm4b:s2+s3], $0x2000, $0x38;
	[tilespmem:$0x10800] =	vst v63  }
0x254: {  	_ =	swait.ge [sflag:s1], $0x2000  }
0x255: {  	[sflag:s1] =	ssyncset.done $0x0  }
0x256: {  	[sflag:s1] =	ssyncadd.s32 $0xFFFFE000  }
0x257: {  	_ =	swait.ge [sflag:s12], $0x2000  }
0x258: {  	[sflag:s12] =	ssyncset.done $0x0  }
0x259: {  	s22 =	simm.s32 $0x20;
	[sflag:s12] =	ssyncadd.s32 $0xFFFFE000  }
0x25a: {  	v1 =	vld [tilespmem:s22+$0x10]  }
0x25b: {  	v2 =	vld [tilespmem:s22+$0xFFFFFFF0]  }
0x25c: {  	v3 =	vld [tilespmem:s22+$0x0]  }
0x25d: {  	v4 =	vld [tilespmem:s22+$0xFFFFFFE0];
	_ =	sdelay $0x4  }
0x25e: {  	v0 =	vld.idx.msk [tilespmem:v1+s26+$0x0], $0xffff  }
0x25f: {  	v6 =	vadd.s32 $0x800, v1;
	v5 =	vld.idx.msk [tilespmem:v2+s26+$0x0], $0xffff  }
0x260: {  	v7 =	vadd.s32 $0x800, v2;
	v8 =	vld.idx.msk [tilespmem:v3+s26+$0x0], $0xffff  }
0x261: {  	s3 =	simm.s32 $0x60;
	v9 =	vadd.s32 $0x800, v3;
	v10 =	vld.idx.msk [tilespmem:v4+s26+$0x0], $0xffff  }
0x262: {  	s22 =	simm.s32 $0xF810;
	v13 =	vld [tilespmem:s3+$0x0];
	v11 =	vadd.s32 $0x800, v4  }
0x263: {  	v12 =	vld [tilespmem:s3+$0xFFFFFFF0];
	[tilespmem:s22+$0xFFFFF020] =	vst v0  }
0x264: {  	[tilespmem:s22+$0xFFFFF000] =	vst v5;
	v6 =	vld.idx.msk [tilespmem:v6+s26+$0x0], $0xffff  }
0x265: {  	[tilespmem:s22+$0xFFFFF010] =	vst v8;
	v5 =	vld.idx.msk [tilespmem:v7+s26+$0x0], $0xffff  }
0x266: {  	[tilespmem:s22+$0xFFFFEFF0] =	vst v10;
	v8 =	vld.idx.msk [tilespmem:v9+s26+$0x0], $0xffff  }
0x267: {  	v7 =	vadd.s32 $0x1000, v1;
	v9 =	vld.idx.msk [tilespmem:v11+s26+$0x0], $0xffff  }
0x268: {  	v11 =	vadd.s32 $0x1000, v4  }
0x269: {  	v0 =	vld [tilespmem:s3+$0x10]  }
0x26a: {  	s14 =	simm.s32 $0x0;
	v15 =	vld.idx.msk [tilespmem:v13+s26+$0x0], $0xffff;
	[tilespmem:s22+$0xFFFFF820] =	vst v6  }
0x26b: {  	s2 =	sand.u32 $0x7C0, s14;
	v10 =	vadd.s32 $0x1000, v2;
	[tilespmem:s22+$0xFFFFF800] =	vst v5;
	v5 =	vld [tilespmem:s3+$0xFFFFFFE0]  }
0x26c: {  	[tilespmem:s2+$0xF000] =	vst v9;
	v7 =	vld.idx.msk [tilespmem:v7+s26+$0x0], $0xffff  }
0x26d: {  	v6 =	vadd.s32 $0x1000, v3;
	[tilespmem:s22+$0xFFFFF810] =	vst v8;
	v8 =	vld.idx.msk [tilespmem:v11+s26+$0x0], $0xffff  }
0x26e: {  	v18 =	vadd.s32 $0x800, v13;
	v11 =	vld.idx.msk [tilespmem:v12+s26+$0x0], $0xffff  }
0x26f: {  	v1 =	vadd.s32 $0x1800, v1  }
0x270: {  	s3 =	simm.s32 $0xF850;
	v9 =	vld.idx.msk [tilespmem:v10+s26+$0x0], $0xffff  }
0x271: {  	v4 =	vadd.s32 $0x1800, v4;
	[tilespmem:s3+$0xFFFFF010] =	vst v15;
	v10 =	vld.idx.msk [tilespmem:v0+s26+$0x0], $0xffff  }
0x272: {  	v2 =	vadd.s32 $0x1800, v2;
	v6 =	vld.idx.msk [tilespmem:v6+s26+$0x0], $0xffff;
	[tilespmem:s22+$0x20] =	vst v7  }
0x273: {  	v14 =	vadd.s32 $0x800, v0;
	[tilespmem:s3+$0xFFFFF000] =	vst v11;
	v11 =	vld.idx.msk [tilespmem:v18+s26+$0x0], $0xffff  }
0x274: {  	v3 =	vadd.s32 $0x1800, v3;
	v1 =	vld.idx.msk [tilespmem:v1+s26+$0x0], $0xffff  }
0x275: {  	v16 =	vadd.s32 $0x800, v12;
	[tilespmem:s2+$0xF800] =	vst v8;
	v17 =	vld.idx.msk [tilespmem:v5+s26+$0x0], $0xffff  }
0x276: {  	v20 =	vadd.s32 $0x800, v5;
	[tilespmem:s22+$0x0] =	vst v9;
	v19 =	vld.idx.msk [tilespmem:v4+s26+$0x0], $0xffff  }
0x277: {  	[tilespmem:s3+$0xFFFFF020] =	vst v10;
	v7 =	vld.idx.msk [tilespmem:v2+s26+$0x0], $0xffff  }
0x278: {  	v9 =	vld.idx.msk [tilespmem:v14+s26+$0x0], $0xffff;
	[tilespmem:s22+$0x10] =	vst v6  }
0x279: {  	v4 =	vadd.s32 $0x1000, v13;
	v2 =	vadd.s32 $0x1800, v13;
	v13 =	vadd.s32 $0x1000, v0;
	v8 =	vld.idx.msk [tilespmem:v3+s26+$0x0], $0xffff;
	[tilespmem:s22+$0x820] =	vst v1  }
0x27a: {  	v10 =	vld.idx.msk [tilespmem:v16+s26+$0x0], $0xffff;
	v6 =	vadd.s32 $0x1000, v5;
	[tilespmem:s3+$0xFFFFEFF0] =	vst v17  }
0x27b: {  	s29 =	simm.s32 $0x4;
	s31 =	simm.s32 $0xA0;
	v5 =	vadd.s32 $0x1800, v5;
	v3 =	vadd.s32 $0x1000, v12;
	v1 =	vadd.s32 $0x1800, v12;
	[tilespmem:s2+$0x10000] =	vst v19;
	v12 =	vld.idx.msk [tilespmem:v20+s26+$0x0], $0xffff  }
.LBB2_17:
0x27c: {  	v14 =	vld [tilespmem:s31+$0x10];
	s29 =	sadd.s32 $0x4, s29;
	[tilespmem:s22+$0x800] =	vst v7  }
0x27d: {  	v7 =	vld [tilespmem:s31+$0xFFFFFFF0];
	p1 =	slt.u32 s29, $0x7C;
	[tilespmem:s3+$0xFFFFF820] =	vst v9  }
0x27e: {  	v9 =	vld.idx.msk [tilespmem:v13+s26+$0x0], $0xffff;
	[tilespmem:s22+$0x810] =	vst v8;
	s22 =	smov.u32 s3  }
0x27f: {  	s14 =	sadd.s32 $0x40, s14;
	v8 =	vld [tilespmem:s31+$0x0];
	[tilespmem:s3+$0xFFFFF800] =	vst v10  }
0x280: {  	s2 =	sand.u32 $0x7C0, s14;
	v10 =	vld [tilespmem:s31+$0xFFFFFFE0];
	[tilespmem:s3+$0xFFFFF810] =	vst v11;
	v11 =	vadd.s32 $0x1800, v0  }
0x281: {  	[tilespmem:s2+$0xF000] =	vst v12;
	v12 =	vld.idx.msk [tilespmem:v3+s26+$0x0], $0xffff;
	v0 =	vmov v14  }
0x282: {  	v13 =	vadd.s32 $0x800, v7;
	v3 =	vadd.s32 $0x1000, v7;
	v15 =	vadd.s32 $0x1800, v7;
	v16 =	vld.idx.msk [tilespmem:v6+s26+$0x0], $0xffff  }
0x283: {  	v17 =	vld.idx.msk [tilespmem:v4+s26+$0x0], $0xffff  }
0x284: {  	v18 =	vadd.s32 $0x800, v8;
	v4 =	vadd.s32 $0x1000, v8;
	v19 =	vadd.s32 $0x1800, v8;
	v14 =	vld.idx.msk [tilespmem:v14+s26+$0x0], $0xffff;
	[tilespmem:s3+$0x20] =	vst v9  }
0x285: {  	v20 =	vadd.s32 $0x800, v10;
	v6 =	vadd.s32 $0x1000, v10;
	v9 =	vadd.s32 $0x1800, v10;
	v11 =	vld.idx.msk [tilespmem:v11+s26+$0x0], $0xffff  }
0x286: {  	v22 =	vadd.s32 $0x800, v0;
	v21 =	vld.idx.msk [tilespmem:v7+s26+$0x0], $0xffff  }
0x287: {  	v23 =	vld.idx.msk [tilespmem:v8+s26+$0x0], $0xffff;
	[tilespmem:s3+$0x0] =	vst v12  }
0x288: {  	v12 =	vld.idx.msk [tilespmem:v10+s26+$0x0], $0xffff;
	[tilespmem:s2+$0xF800] =	vst v16  }
0x289: {  	s3 =	sadd.s32 $0x40, s3;
	v16 =	vld.idx.msk [tilespmem:v5+s26+$0x0], $0xffff;
	[tilespmem:s22+$0x10] =	vst v17;
	v5 =	vmov v9  }
0x28a: {  	[tilespmem:s3+$0xFFFFF020] =	vst v14;
	v7 =	vld.idx.msk [tilespmem:v1+s26+$0x0], $0xffff;
	v1 =	vmov v15  }
.Ltmp9:
0x28b: {  	v9 =	vld.idx.msk [tilespmem:v22+s26+$0x0], $0xffff;
	[tilespmem:s22+$0x820] =	vst v11;
	(pc) =	sbr.rel @p1 .LBB2_17-.Ltmp9, $4  }
0x28c: {  	[tilespmem:s3+$0xFFFFF000] =	vst v21;
	v8 =	vld.idx.msk [tilespmem:v2+s26+$0x0], $0xffff;
	v2 =	vmov v19  }
0x28d: {  	v10 =	vld.idx.msk [tilespmem:v13+s26+$0x0], $0xffff;
	[tilespmem:s3+$0xFFFFF010] =	vst v23;
	v13 =	vadd.s32 $0x1000, v0  }
0x28e: {  	[tilespmem:s3+$0xFFFFEFF0] =	vst v12;
	v11 =	vld.idx.msk [tilespmem:v18+s26+$0x0], $0xffff  }
0x28f: {  	s31 =	sadd.s32 $0x40, s31;
	v12 =	vld.idx.msk [tilespmem:v20+s26+$0x0], $0xffff;
	[tilespmem:s2+$0x10000] =	vst v16  }
0x290: {  	_ =	sdelay $0x2  }
0x291: {  	[tilespmem:s3+$0xFFFFF820] =	vst v9  }
0x292: {  	s2 =	sadd.s32 $0x40, s14;
	v9 =	vld.idx.msk [tilespmem:v13+s26+$0x0], $0xffff;
	[tilespmem:s3+$0xFFFFF800] =	vst v10  }
0x293: {  	v0 =	vadd.s32 $0x1800, v0;
	s2 =	sand.u32 $0x7C0, s2;
	[tilespmem:s3+$0xFFFFF810] =	vst v11;
	v3 =	vld.idx.msk [tilespmem:v3+s26+$0x0], $0xffff  }
0x294: {  	[tilespmem:s2+$0xF000] =	vst v12;
	v4 =	vld.idx.msk [tilespmem:v4+s26+$0x0], $0xffff  }
0x295: {  	v6 =	vld.idx.msk [tilespmem:v6+s26+$0x0], $0xffff;
	_ =	sdelay $0x1  }
0x296: {  	[tilespmem:s3+$0x20] =	vst v9  }
0x297: {  	v0 =	vld.idx.msk [tilespmem:v0+s26+$0x0], $0xffff;
	[tilespmem:s3+$0x0] =	vst v3  }
0x298: {  	[tilespmem:s3+$0x10] =	vst v4;
	v1 =	vld.idx.msk [tilespmem:v1+s26+$0x0], $0xffff  }
0x299: {  	[tilespmem:s2+$0xF800] =	vst v6;
	v2 =	vld.idx.msk [tilespmem:v2+s26+$0x0], $0xffff  }
0x29a: {  	[tilespmem:s22+$0x800] =	vst v7;
	v63 =	vld.idx.msk [tilespmem:v5+s26+$0x0], $0xffff  }
0x29b: {  	[tilespmem:s22+$0x810] =	vst v8  }
.Ltmp10:
0x29c: {  	[tilespmem:s3+$0x820] =	vst v0;
	(pc) =	sbr.rel @p0 .LBB2_20-.Ltmp10, $4  }
0x29d: {  	[tilespmem:s3+$0x800] =	vst v1  }
0x29e: {  	[tilespmem:s3+$0x810] =	vst v2  }
0x29f: {  	s31 =	sadd.s32 s6, s20;
	[tilespmem:s2+$0x10000] =	vst v63  }
0x2a0: {  	[hbm4b:s31+s4] =	stream.linear.scatter [tilespmem:s7], [sflag:$0x8], $0x2000, $0x38;
	[tilespmem:$0x10800] =	vst v63  }
.Ltmp11:
0x2a1: {  	(pc) =	sbr.rel .LBB2_10-.Ltmp11, $3  }
0x2a2: {  	_ =	sdelay $0x1  }
0x2a3: {  	s2 =	sadd.s32 s21, s17;
	s16 =	sadd.s32 $0x1, s16  }
0x2a4: {  	[tilespmem:s26], [sflag:$0x4] =	stream.linear.gather [hbm4b:s2+s4], $0x2000, $0x38;
	[tilespmem:$0x10800] =	vst v63  }
.LBB2_21:
0x2a5: {  	_ =	sfence.sel $0x180000  }
0x2a6: {  	[bflag:$0x0] =	sbarrier.arrive $0xFFFF  }
0x2a7: {  	_ =	strace $0x90000047  }
0x2a8: {  	s0 =	stileid.u32;
	[bflag:$0x2] =	sbarrier.arrive $0xFFFF  }
0x2a9: {  	p0 =	sne.s32 s0, $0x0;
	s0 =	rddreg [dreg:$0x3]  }
0x2aa: {  	s0 =	sadd.s32 @!p0 $0x100000, s0  }
0x2ab: {  	[sflag:s0] =	ssyncadd.tile.s32 @!p0 $0x1;
	_ =	shalt  }
.Lfunc_end2:
_tile_overlayer_lowered:
.L_overlay_start_2:
0x2ac: {  	(tag) =	ssettag $0x2  }
0x2ad: {  	s0 =	rddreg [dreg:$0x0];
	s2 =	stileid.u32  }
0x2ae: {  	s1 =	rddreg [dreg:$0x1];
	p0 =	sne.s32 s2, $0x0  }
0x2af: {  	s3 =	rddreg [dreg:$0x2];
	[bflag:$0x3] =	sbarrier.arrive $0xFFFF;
	s2 =	simm.s32 @!p0 $0x1C09  }
0x2b0: {  	[timem:s3], [sflag:s2] =	dma.local @!p0 [hbm:s0], s1  }
0x2b1: {  	s0 =	simm.s32 @!p0 $0x9  }
0x2b2: {  	_ =	swait.ge @!p0 [sflag:s0], s1  }
0x2b3: {  	s1 =	ssub.s32 @!p0 $0x0, s1;
	[sflag:s0] =	ssyncset.done @!p0 $0x0  }
0x2b4: {  	[sflag:s0] =	ssyncadd.s32 @!p0 s1  }
0x2b5: {  	[bflag:$0x3] =	sbarrier.arrive $0xFFFF  }
0x2b6: {  	_ =	shalt  }

</sc_bundles>
